<compile_context>
chip_gen: v7x
topology: tpu7x:2x2x1
jax: 0.10.2.dev20260603
libtpu: 0.0.44.dev20260713+nightly
codegen_flags: <defaults>
</compile_context>

<pallas_src>
import jax
import jax.numpy as jnp
from jax import lax
from jax.experimental import pallas as pl
from jax.experimental.pallas import tpu as pltpu
from jax.experimental.pallas import tpu_sc as plsc

VOCAB = 100000
EMBED_DIM = 64
NUM_INDICES = 4096 * 50

_info = plsc.get_sparse_core_info()
NC, NS = _info.num_cores, _info.num_subcores
NW = NC * NS
PER_W = NUM_INDICES // NW
CHUNK = 640
NCHUNK = PER_W // CHUNK
NBUF = 3


def _embed_kernel(idx_hbm, table_hbm, out_hbm, idx_all, rows, g_sems, w_sems):
    wid = lax.axis_index("s") * NC + lax.axis_index("c")
    base = wid * PER_W

    pltpu.sync_copy(idx_hbm.at[pl.ds(base, PER_W)], idx_all)

    gathers = [None] * NCHUNK
    writes = [None] * NCHUNK
    for g in range(NCHUNK):
        b = g % NBUF
        if g >= NBUF:
            writes[g - NBUF].wait()
        gathers[g] = pltpu.async_copy(
            table_hbm.at[idx_all.at[pl.ds(g * CHUNK, CHUNK)]],
            rows.at[b], g_sems.at[b])
        if g >= 1:
            pb = (g - 1) % NBUF
            gathers[g - 1].wait()
            writes[g - 1] = pltpu.async_copy(
                rows.at[pb], out_hbm.at[pl.ds(base + (g - 1) * CHUNK, CHUNK)],
                w_sems.at[pb])
    gathers[NCHUNK - 1].wait()
    lb = (NCHUNK - 1) % NBUF
    writes[NCHUNK - 1] = pltpu.async_copy(
        rows.at[lb], out_hbm.at[pl.ds(base + (NCHUNK - 1) * CHUNK, CHUNK)],
        w_sems.at[lb])
    for g in range(NCHUNK - NBUF, NCHUNK):
        if g >= 0:
            writes[g].wait()


@jax.jit
def _embed(idx_flat, weight):
    mesh = plsc.VectorSubcoreMesh(core_axis_name="c", subcore_axis_name="s")
    return pl.kernel(
        _embed_kernel,
        out_type=jax.ShapeDtypeStruct((NUM_INDICES, EMBED_DIM), jnp.float32),
        mesh=mesh,
        scratch_types=[
            pltpu.VMEM((PER_W,), jnp.int32),
            pltpu.VMEM((NBUF, CHUNK, EMBED_DIM), jnp.float32),
            pltpu.SemaphoreType.DMA((NBUF,)),
            pltpu.SemaphoreType.DMA((NBUF,)),
        ],
        compiler_params=pltpu.CompilerParams(use_tc_tiling_on_sc=False),
    )(idx_flat, weight)


def kernel(input_sentence, weight):
    B, S = input_sentence.shape
    idx_flat = input_sentence.reshape(-1).astype(jnp.int32)
    out = _embed(idx_flat, weight)
    return out.reshape(B, S, EMBED_DIM)

# --- scband reference (transcript-rebuilt; emitter-appended) ---
"""Pipeline reference for scband-word-embedding-25297357373828 (READ-ONLY COPY).

The authoritative reference and input builder live on the scoring server;
editing this copy changes nothing except your own understanding.
"""

import jax, jax.numpy as jnp
import numpy as np

VOCAB = 100000
EMBED_DIM = 64

def setup_inputs(seed: int = 0) -> dict:
    key = jax.random.key(seed)
    k1, k2 = jax.random.split(key)
    input_sentence = jax.random.randint(k1, (4096, 50), 0, VOCAB, dtype=jnp.int64 if jax.config.jax_enable_x64 else jnp.int32)
    # Embedding table initialized uniform(-1, 1) per the original module
    weight = jax.random.uniform(k2, (VOCAB, EMBED_DIM), dtype=jnp.float32, minval=-1.0, maxval=1.0)
    return {"input_sentence": input_sentence, "weight": weight}

def reference(input_sentence, weight):
    # nn.Embedding forward: gather rows of the table by index
    sen_embed = jnp.take(weight, input_sentence, axis=0)
    return sen_embed

if __name__ == "__main__":
    import jax
    _d = setup_inputs()
    print(jax.jit(kernel)(*tuple(_d.values())))

</pallas_src>

<mosaic_0001>
#map = affine_map<(d0, d1) -> (0)>
#map1 = affine_map<(d0, d1) -> (0, 0)>
module attributes {stable_mosaic.version = 14 : i64} {
  func.func @_embed_kernel(%arg0: i32, %arg1: i32, %arg2: memref<204800xi32, #tpu.memory_space<hbm>>, %arg3: memref<100000x64xf32, #tpu.memory_space<hbm>>, %arg4: memref<204800x64xf32, #tpu.memory_space<hbm>>, %arg5: memref<6400xi32, #tpu.memory_space<vmem>>, %arg6: memref<3x640x64xf32, #tpu.memory_space<vmem>>, %arg7: memref<3x!tpu.dma_semaphore, #tpu.memory_space<semaphore_mem>>, %arg8: memref<3x!tpu.dma_semaphore, #tpu.memory_space<semaphore_mem>>) attributes {dimension_semantics = [#tpu.dimension_semantics<core_parallel>, #tpu.dimension_semantics<subcore_parallel>], iteration_bounds = array<i64: 2, 16>, scalar_prefetch = 0 : i64, scratch_operands = 4 : i64, tpu.core_type = #tpu.core_type<sc_vector_subcore>, window_params = [{transform_indices = #map}, {transform_indices = #map1}, {transform_indices = #map1}]} {
    %mul3A = arith.constant 2 : i32
    %mul3A_0 = arith.muli %arg1, %mul3A : i32
    %add3A = arith.addi %mul3A_0, %arg0 : i32
    %mul3A_1 = arith.constant 6400 : i32
    %mul3A_2 = arith.muli %add3A, %mul3A_1 : i32
    "tpu.region"() ({
      %run_scoped3A = tpu.sem_alloc : memref<!tpu.dma_semaphore, #tpu.memory_space<semaphore_mem>>
      %dma_start3A_601 = tpu.memref_slice %arg2[%mul3A_2] : memref<204800xi32, #tpu.memory_space<hbm>> -> memref<6400xi32, #tpu.memory_space<hbm>>
      %dma_start3A_602 = tpu.memref_slice %arg2[%mul3A_2] : memref<204800xi32, #tpu.memory_space<hbm>> -> memref<6400xi32, #tpu.memory_space<hbm>>
      tpu.enqueue_dma source(%dma_start3A_602 : memref<6400xi32, #tpu.memory_space<hbm>>) target(%arg5 : memref<6400xi32, #tpu.memory_space<vmem>>) target_semaphore(%run_scoped3A : memref<!tpu.dma_semaphore, #tpu.memory_space<semaphore_mem>>)
      %dma_wait3A_603 = tpu.memref_slice %arg2[%mul3A_2] : memref<204800xi32, #tpu.memory_space<hbm>> -> memref<6400xi32, #tpu.memory_space<hbm>>
      %dma_wait3A_604 = tpu.memref_slice %arg2[%mul3A_2] : memref<204800xi32, #tpu.memory_space<hbm>> -> memref<6400xi32, #tpu.memory_space<hbm>>
      tpu.wait_dma2 semaphore(%run_scoped3A : memref<!tpu.dma_semaphore, #tpu.memory_space<semaphore_mem>>) src(%dma_wait3A_604 : memref<6400xi32, #tpu.memory_space<hbm>>) dst(%arg5 : memref<6400xi32, #tpu.memory_space<vmem>>)
      tpu.yield
    }) : () -> ()
    %dma_start3A = arith.constant 0 : i32
    %dma_start3A_3 = arith.constant 0 : i32
    %dma_start3A_4 = arith.constant 0 : i32
    %dma_start3A_5 = arith.constant 0 : i32
    %dma_start3A_6 = tpu.memref_slice %arg6[%dma_start3A, %dma_start3A_4, %dma_start3A_5] : memref<3x640x64xf32, #tpu.memory_space<vmem>> -> memref<1x640x64xf32, #tpu.memory_space<vmem>>
    %dma_start3A_7 = tpu.memref_squeeze %dma_start3A_6 : memref<1x640x64xf32, #tpu.memory_space<vmem>> -> memref<640x64xf32, #tpu.memory_space<vmem>>
    %dma_start3A_8 = arith.constant 0 : i32
    %dma_start3A_9 = tpu.memref_slice %arg5[%dma_start3A_8] : memref<6400xi32, #tpu.memory_space<vmem>> -> memref<640xi32, #tpu.memory_space<vmem>>
    %dma_start3A_10 = arith.constant 0 : i32
    %dma_start3A_11 = arith.constant 0 : i32
    %dma_start3A_12 = tpu.memref_slice %arg3[%dma_start3A_10, %dma_start3A_11] : memref<100000x64xf32, #tpu.memory_space<hbm>> -> memref<100000x64xf32, #tpu.memory_space<hbm>>
    %dma_start3A_13 = tpu.memref_slice %arg7[%dma_start3A_3] : memref<3x!tpu.dma_semaphore, #tpu.memory_space<semaphore_mem>> -> memref<1x!tpu.dma_semaphore, #tpu.memory_space<semaphore_mem>>
    %dma_start3A_14 = tpu.memref_squeeze %dma_start3A_13 : memref<1x!tpu.dma_semaphore, #tpu.memory_space<semaphore_mem>> -> memref<!tpu.dma_semaphore, #tpu.memory_space<semaphore_mem>>
    tpu.enqueue_indirect_dma source(%dma_start3A_12 : memref<100000x64xf32, #tpu.memory_space<hbm>>) target(%dma_start3A_7 : memref<640x64xf32, #tpu.memory_space<vmem>>) offsets(%dma_start3A_9 : memref<640xi32, #tpu.memory_space<vmem>>) semaphore(%dma_start3A_14 : memref<!tpu.dma_semaphore, #tpu.memory_space<semaphore_mem>>)
    %dma_start3A_15 = arith.constant 1 : i32
    %dma_start3A_16 = arith.constant 1 : i32
    %dma_start3A_17 = arith.constant 0 : i32
    %dma_start3A_18 = arith.constant 0 : i32
    %dma_start3A_19 = tpu.memref_slice %arg6[%dma_start3A_15, %dma_start3A_17, %dma_start3A_18] : memref<3x640x64xf32, #tpu.memory_space<vmem>> -> memref<1x640x64xf32, #tpu.memory_space<vmem>>
    %dma_start3A_20 = tpu.memref_squeeze %dma_start3A_19 : memref<1x640x64xf32, #tpu.memory_space<vmem>> -> memref<640x64xf32, #tpu.memory_space<vmem>>
    %dma_start3A_21 = arith.constant 640 : i32
    %dma_start3A_22 = tpu.memref_slice %arg5[%dma_start3A_21] : memref<6400xi32, #tpu.memory_space<vmem>> -> memref<640xi32, #tpu.memory_space<vmem>>
    %dma_start3A_23 = arith.constant 0 : i32
    %dma_start3A_24 = arith.constant 0 : i32
    %dma_start3A_25 = tpu.memref_slice %arg3[%dma_start3A_23, %dma_start3A_24] : memref<100000x64xf32, #tpu.memory_space<hbm>> -> memref<100000x64xf32, #tpu.memory_space<hbm>>
    %dma_start3A_26 = tpu.memref_slice %arg7[%dma_start3A_16] : memref<3x!tpu.dma_semaphore, #tpu.memory_space<semaphore_mem>> -> memref<1x!tpu.dma_semaphore, #tpu.memory_space<semaphore_mem>>
    %dma_start3A_27 = tpu.memref_squeeze %dma_start3A_26 : memref<1x!tpu.dma_semaphore, #tpu.memory_space<semaphore_mem>> -> memref<!tpu.dma_semaphore, #tpu.memory_space<semaphore_mem>>
    tpu.enqueue_indirect_dma source(%dma_start3A_25 : memref<100000x64xf32, #tpu.memory_space<hbm>>) target(%dma_start3A_20 : memref<640x64xf32, #tpu.memory_space<vmem>>) offsets(%dma_start3A_22 : memref<640xi32, #tpu.memory_space<vmem>>) semaphore(%dma_start3A_27 : memref<!tpu.dma_semaphore, #tpu.memory_space<semaphore_mem>>)
    %dma_wait3A = arith.constant 0 : i32
    %dma_wait3A_28 = arith.constant 0 : i32
    %dma_wait3A_29 = arith.constant 0 : i32
    %dma_wait3A_30 = arith.constant 0 : i32
    %dma_wait3A_31 = tpu.memref_slice %arg6[%dma_wait3A, %dma_wait3A_29, %dma_wait3A_30] : memref<3x640x64xf32, #tpu.memory_space<vmem>> -> memref<1x640x64xf32, #tpu.memory_space<vmem>>
    %dma_wait3A_32 = tpu.memref_squeeze %dma_wait3A_31 : memref<1x640x64xf32, #tpu.memory_space<vmem>> -> memref<640x64xf32, #tpu.memory_space<vmem>>
    %dma_wait3A_33 = arith.constant 0 : i32
    %dma_wait3A_34 = tpu.memref_slice %arg5[%dma_wait3A_33] : memref<6400xi32, #tpu.memory_space<vmem>> -> memref<640xi32, #tpu.memory_space<vmem>>
    %dma_wait3A_35 = arith.constant 0 : i32
    %dma_wait3A_36 = arith.constant 0 : i32
    %dma_wait3A_37 = tpu.memref_slice %arg3[%dma_wait3A_35, %dma_wait3A_36] : memref<100000x64xf32, #tpu.memory_space<hbm>> -> memref<100000x64xf32, #tpu.memory_space<hbm>>
    %dma_wait3A_38 = tpu.memref_slice %arg7[%dma_wait3A_28] : memref<3x!tpu.dma_semaphore, #tpu.memory_space<semaphore_mem>> -> memref<1x!tpu.dma_semaphore, #tpu.memory_space<semaphore_mem>>
    %dma_wait3A_39 = tpu.memref_squeeze %dma_wait3A_38 : memref<1x!tpu.dma_semaphore, #tpu.memory_space<semaphore_mem>> -> memref<!tpu.dma_semaphore, #tpu.memory_space<semaphore_mem>>
    tpu.wait_indirect_dma semaphore(%dma_wait3A_39 : memref<!tpu.dma_semaphore, #tpu.memory_space<semaphore_mem>>) src(%dma_wait3A_37 : memref<100000x64xf32, #tpu.memory_space<hbm>>) dst(%dma_wait3A_32 : memref<640x64xf32, #tpu.memory_space<vmem>>)
    %add3A_40 = arith.constant 0 : i32
    %add3A_41 = arith.addi %mul3A_2, %add3A_40 : i32
    %dma_start3A_42 = arith.constant 0 : i32
    %dma_start3A_43 = arith.constant 0 : i32
    %dma_start3A_44 = arith.constant 0 : i32
    %dma_start3A_45 = arith.constant 0 : i32
    %dma_start3A_46 = tpu.memref_slice %arg6[%dma_start3A_42, %dma_start3A_44, %dma_start3A_45] : memref<3x640x64xf32, #tpu.memory_space<vmem>> -> memref<1x640x64xf32, #tpu.memory_space<vmem>>
    %dma_start3A_47 = tpu.memref_squeeze %dma_start3A_46 : memref<1x640x64xf32, #tpu.memory_space<vmem>> -> memref<640x64xf32, #tpu.memory_space<vmem>>
    %dma_start3A_48 = arith.constant 0 : i32
    %dma_start3A_49 = tpu.memref_slice %arg4[%add3A_41, %dma_start3A_48] : memref<204800x64xf32, #tpu.memory_space<hbm>> -> memref<640x64xf32, #tpu.memory_space<hbm>>
    %dma_start3A_50 = tpu.memref_slice %arg8[%dma_start3A_43] : memref<3x!tpu.dma_semaphore, #tpu.memory_space<semaphore_mem>> -> memref<1x!tpu.dma_semaphore, #tpu.memory_space<semaphore_mem>>
    %dma_start3A_51 = tpu.memref_squeeze %dma_start3A_50 : memref<1x!tpu.dma_semaphore, #tpu.memory_space<semaphore_mem>> -> memref<!tpu.dma_semaphore, #tpu.memory_space<semaphore_mem>>
    %dma_start3A_52 = arith.constant 0 : i32
    %dma_start3A_53 = tpu.memref_slice %arg4[%add3A_41, %dma_start3A_52] : memref<204800x64xf32, #tpu.memory_space<hbm>> -> memref<640x64xf32, #tpu.memory_space<hbm>>
    %dma_start3A_54 = arith.constant 0 : i32
    %dma_start3A_55 = arith.constant 0 : i32
    %dma_start3A_56 = tpu.memref_slice %arg6[%dma_start3A_42, %dma_start3A_54, %dma_start3A_55] : memref<3x640x64xf32, #tpu.memory_space<vmem>> -> memref<1x640x64xf32, #tpu.memory_space<vmem>>
    %dma_start3A_57 = tpu.memref_squeeze %dma_start3A_56 : memref<1x640x64xf32, #tpu.memory_space<vmem>> -> memref<640x64xf32, #tpu.memory_space<vmem>>
    tpu.enqueue_dma source(%dma_start3A_57 : memref<640x64xf32, #tpu.memory_space<vmem>>) target(%dma_start3A_53 : memref<640x64xf32, #tpu.memory_space<hbm>>) target_semaphore(%dma_start3A_51 : memref<!tpu.dma_semaphore, #tpu.memory_space<semaphore_mem>>)
    %dma_start3A_58 = arith.constant 2 : i32
    %dma_start3A_59 = arith.constant 2 : i32
    %dma_start3A_60 = arith.constant 0 : i32
    %dma_start3A_61 = arith.constant 0 : i32
    %dma_start3A_62 = tpu.memref_slice %arg6[%dma_start3A_58, %dma_start3A_60, %dma_start3A_61] : memref<3x640x64xf32, #tpu.memory_space<vmem>> -> memref<1x640x64xf32, #tpu.memory_space<vmem>>
    %dma_start3A_63 = tpu.memref_squeeze %dma_start3A_62 : memref<1x640x64xf32, #tpu.memory_space<vmem>> -> memref<640x64xf32, #tpu.memory_space<vmem>>
    %dma_start3A_64 = arith.constant 1280 : i32
    %dma_start3A_65 = tpu.memref_slice %arg5[%dma_start3A_64] : memref<6400xi32, #tpu.memory_space<vmem>> -> memref<640xi32, #tpu.memory_space<vmem>>
    %dma_start3A_66 = arith.constant 0 : i32
    %dma_start3A_67 = arith.constant 0 : i32
    %dma_start3A_68 = tpu.memref_slice %arg3[%dma_start3A_66, %dma_start3A_67] : memref<100000x64xf32, #tpu.memory_space<hbm>> -> memref<100000x64xf32, #tpu.memory_space<hbm>>
    %dma_start3A_69 = tpu.memref_slice %arg7[%dma_start3A_59] : memref<3x!tpu.dma_semaphore, #tpu.memory_space<semaphore_mem>> -> memref<1x!tpu.dma_semaphore, #tpu.memory_space<semaphore_mem>>
    %dma_start3A_70 = tpu.memref_squeeze %dma_start3A_69 : memref<1x!tpu.dma_semaphore, #tpu.memory_space<semaphore_mem>> -> memref<!tpu.dma_semaphore, #tpu.memory_space<semaphore_mem>>
    tpu.enqueue_indirect_dma source(%dma_start3A_68 : memref<100000x64xf32, #tpu.memory_space<hbm>>) target(%dma_start3A_63 : memref<640x64xf32, #tpu.memory_space<vmem>>) offsets(%dma_start3A_65 : memref<640xi32, #tpu.memory_space<vmem>>) semaphore(%dma_start3A_70 : memref<!tpu.dma_semaphore, #tpu.memory_space<semaphore_mem>>)
    %dma_wait3A_71 = arith.constant 1 : i32
    %dma_wait3A_72 = arith.constant 1 : i32
    %dma_wait3A_73 = arith.constant 0 : i32
    %dma_wait3A_74 = arith.constant 0 : i32
    %dma_wait3A_75 = tpu.memref_slice %arg6[%dma_wait3A_71, %dma_wait3A_73, %dma_wait3A_74] : memref<3x640x64xf32, #tpu.memory_space<vmem>> -> memref<1x640x64xf32, #tpu.memory_space<vmem>>
    %dma_wait3A_76 = tpu.memref_squeeze %dma_wait3A_75 : memref<1x640x64xf32, #tpu.memory_space<vmem>> -> memref<640x64xf32, #tpu.memory_space<vmem>>
    %dma_wait3A_77 = arith.constant 640 : i32
    %dma_wait3A_78 = tpu.memref_slice %arg5[%dma_wait3A_77] : memref<6400xi32, #tpu.memory_space<vmem>> -> memref<640xi32, #tpu.memory_space<vmem>>
    %dma_wait3A_79 = arith.constant 0 : i32
    %dma_wait3A_80 = arith.constant 0 : i32
    %dma_wait3A_81 = tpu.memref_slice %arg3[%dma_wait3A_79, %dma_wait3A_80] : memref<100000x64xf32, #tpu.memory_space<hbm>> -> memref<100000x64xf32, #tpu.memory_space<hbm>>
    %dma_wait3A_82 = tpu.memref_slice %arg7[%dma_wait3A_72] : memref<3x!tpu.dma_semaphore, #tpu.memory_space<semaphore_mem>> -> memref<1x!tpu.dma_semaphore, #tpu.memory_space<semaphore_mem>>
    %dma_wait3A_83 = tpu.memref_squeeze %dma_wait3A_82 : memref<1x!tpu.dma_semaphore, #tpu.memory_space<semaphore_mem>> -> memref<!tpu.dma_semaphore, #tpu.memory_space<semaphore_mem>>
    tpu.wait_indirect_dma semaphore(%dma_wait3A_83 : memref<!tpu.dma_semaphore, #tpu.memory_space<semaphore_mem>>) src(%dma_wait3A_81 : memref<100000x64xf32, #tpu.memory_space<hbm>>) dst(%dma_wait3A_76 : memref<640x64xf32, #tpu.memory_space<vmem>>)
    %add3A_84 = arith.constant 640 : i32
    %add3A_85 = arith.addi %mul3A_2, %add3A_84 : i32
    %dma_start3A_86 = arith.constant 1 : i32
    %dma_start3A_87 = arith.constant 1 : i32
    %dma_start3A_88 = arith.constant 0 : i32
    %dma_start3A_89 = arith.constant 0 : i32
    %dma_start3A_90 = tpu.memref_slice %arg6[%dma_start3A_86, %dma_start3A_88, %dma_start3A_89] : memref<3x640x64xf32, #tpu.memory_space<vmem>> -> memref<1x640x64xf32, #tpu.memory_space<vmem>>
    %dma_start3A_91 = tpu.memref_squeeze %dma_start3A_90 : memref<1x640x64xf32, #tpu.memory_space<vmem>> -> memref<640x64xf32, #tpu.memory_space<vmem>>
    %dma_start3A_92 = arith.constant 0 : i32
    %dma_start3A_93 = tpu.memref_slice %arg4[%add3A_85, %dma_start3A_92] : memref<204800x64xf32, #tpu.memory_space<hbm>> -> memref<640x64xf32, #tpu.memory_space<hbm>>
    %dma_start3A_94 = tpu.memref_slice %arg8[%dma_start3A_87] : memref<3x!tpu.dma_semaphore, #tpu.memory_space<semaphore_mem>> -> memref<1x!tpu.dma_semaphore, #tpu.memory_space<semaphore_mem>>
    %dma_start3A_95 = tpu.memref_squeeze %dma_start3A_94 : memref<1x!tpu.dma_semaphore, #tpu.memory_space<semaphore_mem>> -> memref<!tpu.dma_semaphore, #tpu.memory_space<semaphore_mem>>
    %dma_start3A_96 = arith.constant 0 : i32
    %dma_start3A_97 = tpu.memref_slice %arg4[%add3A_85, %dma_start3A_96] : memref<204800x64xf32, #tpu.memory_space<hbm>> -> memref<640x64xf32, #tpu.memory_space<hbm>>
    %dma_start3A_98 = arith.constant 0 : i32
    %dma_start3A_99 = arith.constant 0 : i32
    %dma_start3A_100 = tpu.memref_slice %arg6[%dma_start3A_86, %dma_start3A_98, %dma_start3A_99] : memref<3x640x64xf32, #tpu.memory_space<vmem>> -> memref<1x640x64xf32, #tpu.memory_space<vmem>>
    %dma_start3A_101 = tpu.memref_squeeze %dma_start3A_100 : memref<1x640x64xf32, #tpu.memory_space<vmem>> -> memref<640x64xf32, #tpu.memory_space<vmem>>
    tpu.enqueue_dma source(%dma_start3A_101 : memref<640x64xf32, #tpu.memory_space<vmem>>) target(%dma_start3A_97 : memref<640x64xf32, #tpu.memory_space<hbm>>) target_semaphore(%dma_start3A_95 : memref<!tpu.dma_semaphore, #tpu.memory_space<semaphore_mem>>)
    %dma_wait3A_102 = arith.constant 0 : i32
    %dma_wait3A_103 = arith.constant 0 : i32
    %dma_wait3A_104 = arith.constant 0 : i32
    %dma_wait3A_105 = arith.constant 0 : i32
    %dma_wait3A_106 = tpu.memref_slice %arg6[%dma_wait3A_102, %dma_wait3A_104, %dma_wait3A_105] : memref<3x640x64xf32, #tpu.memory_space<vmem>> -> memref<1x640x64xf32, #tpu.memory_space<vmem>>
    %dma_wait3A_107 = tpu.memref_squeeze %dma_wait3A_106 : memref<1x640x64xf32, #tpu.memory_space<vmem>> -> memref<640x64xf32, #tpu.memory_space<vmem>>
    %dma_wait3A_108 = arith.constant 0 : i32
    %dma_wait3A_109 = tpu.memref_slice %arg4[%add3A_41, %dma_wait3A_108] : memref<204800x64xf32, #tpu.memory_space<hbm>> -> memref<640x64xf32, #tpu.memory_space<hbm>>
    %dma_wait3A_110 = tpu.memref_slice %arg8[%dma_wait3A_103] : memref<3x!tpu.dma_semaphore, #tpu.memory_space<semaphore_mem>> -> memref<1x!tpu.dma_semaphore, #tpu.memory_space<semaphore_mem>>
    %dma_wait3A_111 = tpu.memref_squeeze %dma_wait3A_110 : memref<1x!tpu.dma_semaphore, #tpu.memory_space<semaphore_mem>> -> memref<!tpu.dma_semaphore, #tpu.memory_space<semaphore_mem>>
    %dma_wait3A_112 = arith.constant 0 : i32
    %dma_wait3A_113 = tpu.memref_slice %arg4[%add3A_41, %dma_wait3A_112] : memref<204800x64xf32, #tpu.memory_space<hbm>> -> memref<640x64xf32, #tpu.memory_space<hbm>>
    %dma_wait3A_114 = arith.constant 0 : i32
    %dma_wait3A_115 = arith.constant 0 : i32
    %dma_wait3A_116 = tpu.memref_slice %arg6[%dma_wait3A_102, %dma_wait3A_114, %dma_wait3A_115] : memref<3x640x64xf32, #tpu.memory_space<vmem>> -> memref<1x640x64xf32, #tpu.memory_space<vmem>>
    %dma_wait3A_117 = tpu.memref_squeeze %dma_wait3A_116 : memref<1x640x64xf32, #tpu.memory_space<vmem>> -> memref<640x64xf32, #tpu.memory_space<vmem>>
    tpu.wait_dma2 semaphore(%dma_wait3A_111 : memref<!tpu.dma_semaphore, #tpu.memory_space<semaphore_mem>>) src(%dma_wait3A_117 : memref<640x64xf32, #tpu.memory_space<vmem>>) dst(%dma_wait3A_113 : memref<640x64xf32, #tpu.memory_space<hbm>>)
    %dma_start3A_118 = arith.constant 0 : i32
    %dma_start3A_119 = arith.constant 0 : i32
    %dma_start3A_120 = arith.constant 0 : i32
    %dma_start3A_121 = arith.constant 0 : i32
    %dma_start3A_122 = tpu.memref_slice %arg6[%dma_start3A_118, %dma_start3A_120, %dma_start3A_121] : memref<3x640x64xf32, #tpu.memory_space<vmem>> -> memref<1x640x64xf32, #tpu.memory_space<vmem>>
    %dma_start3A_123 = tpu.memref_squeeze %dma_start3A_122 : memref<1x640x64xf32, #tpu.memory_space<vmem>> -> memref<640x64xf32, #tpu.memory_space<vmem>>
    %dma_start3A_124 = arith.constant 1920 : i32
    %dma_start3A_125 = tpu.memref_slice %arg5[%dma_start3A_124] : memref<6400xi32, #tpu.memory_space<vmem>> -> memref<640xi32, #tpu.memory_space<vmem>>
    %dma_start3A_126 = arith.constant 0 : i32
    %dma_start3A_127 = arith.constant 0 : i32
    %dma_start3A_128 = tpu.memref_slice %arg3[%dma_start3A_126, %dma_start3A_127] : memref<100000x64xf32, #tpu.memory_space<hbm>> -> memref<100000x64xf32, #tpu.memory_space<hbm>>
    %dma_start3A_129 = tpu.memref_slice %arg7[%dma_start3A_119] : memref<3x!tpu.dma_semaphore, #tpu.memory_space<semaphore_mem>> -> memref<1x!tpu.dma_semaphore, #tpu.memory_space<semaphore_mem>>
    %dma_start3A_130 = tpu.memref_squeeze %dma_start3A_129 : memref<1x!tpu.dma_semaphore, #tpu.memory_space<semaphore_mem>> -> memref<!tpu.dma_semaphore, #tpu.memory_space<semaphore_mem>>
    tpu.enqueue_indirect_dma source(%dma_start3A_128 : memref<100000x64xf32, #tpu.memory_space<hbm>>) target(%dma_start3A_123 : memref<640x64xf32, #tpu.memory_space<vmem>>) offsets(%dma_start3A_125 : memref<640xi32, #tpu.memory_space<vmem>>) semaphore(%dma_start3A_130 : memref<!tpu.dma_semaphore, #tpu.memory_space<semaphore_mem>>)
    %dma_wait3A_131 = arith.constant 2 : i32
    %dma_wait3A_132 = arith.constant 2 : i32
    %dma_wait3A_133 = arith.constant 0 : i32
    %dma_wait3A_134 = arith.constant 0 : i32
    %dma_wait3A_135 = tpu.memref_slice %arg6[%dma_wait3A_131, %dma_wait3A_133, %dma_wait3A_134] : memref<3x640x64xf32, #tpu.memory_space<vmem>> -> memref<1x640x64xf32, #tpu.memory_space<vmem>>
    %dma_wait3A_136 = tpu.memref_squeeze %dma_wait3A_135 : memref<1x640x64xf32, #tpu.memory_space<vmem>> -> memref<640x64xf32, #tpu.memory_space<vmem>>
    %dma_wait3A_137 = arith.constant 1280 : i32
    %dma_wait3A_138 = tpu.memref_slice %arg5[%dma_wait3A_137] : memref<6400xi32, #tpu.memory_space<vmem>> -> memref<640xi32, #tpu.memory_space<vmem>>
    %dma_wait3A_139 = arith.constant 0 : i32
    %dma_wait3A_140 = arith.constant 0 : i32
    %dma_wait3A_141 = tpu.memref_slice %arg3[%dma_wait3A_139, %dma_wait3A_140] : memref<100000x64xf32, #tpu.memory_space<hbm>> -> memref<100000x64xf32, #tpu.memory_space<hbm>>
    %dma_wait3A_142 = tpu.memref_slice %arg7[%dma_wait3A_132] : memref<3x!tpu.dma_semaphore, #tpu.memory_space<semaphore_mem>> -> memref<1x!tpu.dma_semaphore, #tpu.memory_space<semaphore_mem>>
    %dma_wait3A_143 = tpu.memref_squeeze %dma_wait3A_142 : memref<1x!tpu.dma_semaphore, #tpu.memory_space<semaphore_mem>> -> memref<!tpu.dma_semaphore, #tpu.memory_space<semaphore_mem>>
    tpu.wait_indirect_dma semaphore(%dma_wait3A_143 : memref<!tpu.dma_semaphore, #tpu.memory_space<semaphore_mem>>) src(%dma_wait3A_141 : memref<100000x64xf32, #tpu.memory_space<hbm>>) dst(%dma_wait3A_136 : memref<640x64xf32, #tpu.memory_space<vmem>>)
    %add3A_144 = arith.constant 1280 : i32
    %add3A_145 = arith.addi %mul3A_2, %add3A_144 : i32
    %dma_start3A_146 = arith.constant 2 : i32
    %dma_start3A_147 = arith.constant 2 : i32
    %dma_start3A_148 = arith.constant 0 : i32
    %dma_start3A_149 = arith.constant 0 : i32
    %dma_start3A_150 = tpu.memref_slice %arg6[%dma_start3A_146, %dma_start3A_148, %dma_start3A_149] : memref<3x640x64xf32, #tpu.memory_space<vmem>> -> memref<1x640x64xf32, #tpu.memory_space<vmem>>
    %dma_start3A_151 = tpu.memref_squeeze %dma_start3A_150 : memref<1x640x64xf32, #tpu.memory_space<vmem>> -> memref<640x64xf32, #tpu.memory_space<vmem>>
    %dma_start3A_152 = arith.constant 0 : i32
    %dma_start3A_153 = tpu.memref_slice %arg4[%add3A_145, %dma_start3A_152] : memref<204800x64xf32, #tpu.memory_space<hbm>> -> memref<640x64xf32, #tpu.memory_space<hbm>>
    %dma_start3A_154 = tpu.memref_slice %arg8[%dma_start3A_147] : memref<3x!tpu.dma_semaphore, #tpu.memory_space<semaphore_mem>> -> memref<1x!tpu.dma_semaphore, #tpu.memory_space<semaphore_mem>>
    %dma_start3A_155 = tpu.memref_squeeze %dma_start3A_154 : memref<1x!tpu.dma_semaphore, #tpu.memory_space<semaphore_mem>> -> memref<!tpu.dma_semaphore, #tpu.memory_space<semaphore_mem>>
    %dma_start3A_156 = arith.constant 0 : i32
    %dma_start3A_157 = tpu.memref_slice %arg4[%add3A_145, %dma_start3A_156] : memref<204800x64xf32, #tpu.memory_space<hbm>> -> memref<640x64xf32, #tpu.memory_space<hbm>>
    %dma_start3A_158 = arith.constant 0 : i32
    %dma_start3A_159 = arith.constant 0 : i32
    %dma_start3A_160 = tpu.memref_slice %arg6[%dma_start3A_146, %dma_start3A_158, %dma_start3A_159] : memref<3x640x64xf32, #tpu.memory_space<vmem>> -> memref<1x640x64xf32, #tpu.memory_space<vmem>>
    %dma_start3A_161 = tpu.memref_squeeze %dma_start3A_160 : memref<1x640x64xf32, #tpu.memory_space<vmem>> -> memref<640x64xf32, #tpu.memory_space<vmem>>
    tpu.enqueue_dma source(%dma_start3A_161 : memref<640x64xf32, #tpu.memory_space<vmem>>) target(%dma_start3A_157 : memref<640x64xf32, #tpu.memory_space<hbm>>) target_semaphore(%dma_start3A_155 : memref<!tpu.dma_semaphore, #tpu.memory_space<semaphore_mem>>)
    %dma_wait3A_162 = arith.constant 1 : i32
    %dma_wait3A_163 = arith.constant 1 : i32
    %dma_wait3A_164 = arith.constant 0 : i32
    %dma_wait3A_165 = arith.constant 0 : i32
    %dma_wait3A_166 = tpu.memref_slice %arg6[%dma_wait3A_162, %dma_wait3A_164, %dma_wait3A_165] : memref<3x640x64xf32, #tpu.memory_space<vmem>> -> memref<1x640x64xf32, #tpu.memory_space<vmem>>
    %dma_wait3A_167 = tpu.memref_squeeze %dma_wait3A_166 : memref<1x640x64xf32, #tpu.memory_space<vmem>> -> memref<640x64xf32, #tpu.memory_space<vmem>>
    %dma_wait3A_168 = arith.constant 0 : i32
    %dma_wait3A_169 = tpu.memref_slice %arg4[%add3A_85, %dma_wait3A_168] : memref<204800x64xf32, #tpu.memory_space<hbm>> -> memref<640x64xf32, #tpu.memory_space<hbm>>
    %dma_wait3A_170 = tpu.memref_slice %arg8[%dma_wait3A_163] : memref<3x!tpu.dma_semaphore, #tpu.memory_space<semaphore_mem>> -> memref<1x!tpu.dma_semaphore, #tpu.memory_space<semaphore_mem>>
    %dma_wait3A_171 = tpu.memref_squeeze %dma_wait3A_170 : memref<1x!tpu.dma_semaphore, #tpu.memory_space<semaphore_mem>> -> memref<!tpu.dma_semaphore, #tpu.memory_space<semaphore_mem>>
    %dma_wait3A_172 = arith.constant 0 : i32
    %dma_wait3A_173 = tpu.memref_slice %arg4[%add3A_85, %dma_wait3A_172] : memref<204800x64xf32, #tpu.memory_space<hbm>> -> memref<640x64xf32, #tpu.memory_space<hbm>>
    %dma_wait3A_174 = arith.constant 0 : i32
    %dma_wait3A_175 = arith.constant 0 : i32
    %dma_wait3A_176 = tpu.memref_slice %arg6[%dma_wait3A_162, %dma_wait3A_174, %dma_wait3A_175] : memref<3x640x64xf32, #tpu.memory_space<vmem>> -> memref<1x640x64xf32, #tpu.memory_space<vmem>>
    %dma_wait3A_177 = tpu.memref_squeeze %dma_wait3A_176 : memref<1x640x64xf32, #tpu.memory_space<vmem>> -> memref<640x64xf32, #tpu.memory_space<vmem>>
    tpu.wait_dma2 semaphore(%dma_wait3A_171 : memref<!tpu.dma_semaphore, #tpu.memory_space<semaphore_mem>>) src(%dma_wait3A_177 : memref<640x64xf32, #tpu.memory_space<vmem>>) dst(%dma_wait3A_173 : memref<640x64xf32, #tpu.memory_space<hbm>>)
    %dma_start3A_178 = arith.constant 1 : i32
    %dma_start3A_179 = arith.constant 1 : i32
    %dma_start3A_180 = arith.constant 0 : i32
    %dma_start3A_181 = arith.constant 0 : i32
    %dma_start3A_182 = tpu.memref_slice %arg6[%dma_start3A_178, %dma_start3A_180, %dma_start3A_181] : memref<3x640x64xf32, #tpu.memory_space<vmem>> -> memref<1x640x64xf32, #tpu.memory_space<vmem>>
    %dma_start3A_183 = tpu.memref_squeeze %dma_start3A_182 : memref<1x640x64xf32, #tpu.memory_space<vmem>> -> memref<640x64xf32, #tpu.memory_space<vmem>>
    %dma_start3A_184 = arith.constant 2560 : i32
    %dma_start3A_185 = tpu.memref_slice %arg5[%dma_start3A_184] : memref<6400xi32, #tpu.memory_space<vmem>> -> memref<640xi32, #tpu.memory_space<vmem>>
    %dma_start3A_186 = arith.constant 0 : i32
    %dma_start3A_187 = arith.constant 0 : i32
    %dma_start3A_188 = tpu.memref_slice %arg3[%dma_start3A_186, %dma_start3A_187] : memref<100000x64xf32, #tpu.memory_space<hbm>> -> memref<100000x64xf32, #tpu.memory_space<hbm>>
    %dma_start3A_189 = tpu.memref_slice %arg7[%dma_start3A_179] : memref<3x!tpu.dma_semaphore, #tpu.memory_space<semaphore_mem>> -> memref<1x!tpu.dma_semaphore, #tpu.memory_space<semaphore_mem>>
    %dma_start3A_190 = tpu.memref_squeeze %dma_start3A_189 : memref<1x!tpu.dma_semaphore, #tpu.memory_space<semaphore_mem>> -> memref<!tpu.dma_semaphore, #tpu.memory_space<semaphore_mem>>
    tpu.enqueue_indirect_dma source(%dma_start3A_188 : memref<100000x64xf32, #tpu.memory_space<hbm>>) target(%dma_start3A_183 : memref<640x64xf32, #tpu.memory_space<vmem>>) offsets(%dma_start3A_185 : memref<640xi32, #tpu.memory_space<vmem>>) semaphore(%dma_start3A_190 : memref<!tpu.dma_semaphore, #tpu.memory_space<semaphore_mem>>)
    %dma_wait3A_191 = arith.constant 0 : i32
    %dma_wait3A_192 = arith.constant 0 : i32
    %dma_wait3A_193 = arith.constant 0 : i32
    %dma_wait3A_194 = arith.constant 0 : i32
    %dma_wait3A_195 = tpu.memref_slice %arg6[%dma_wait3A_191, %dma_wait3A_193, %dma_wait3A_194] : memref<3x640x64xf32, #tpu.memory_space<vmem>> -> memref<1x640x64xf32, #tpu.memory_space<vmem>>
    %dma_wait3A_196 = tpu.memref_squeeze %dma_wait3A_195 : memref<1x640x64xf32, #tpu.memory_space<vmem>> -> memref<640x64xf32, #tpu.memory_space<vmem>>
    %dma_wait3A_197 = arith.constant 1920 : i32
    %dma_wait3A_198 = tpu.memref_slice %arg5[%dma_wait3A_197] : memref<6400xi32, #tpu.memory_space<vmem>> -> memref<640xi32, #tpu.memory_space<vmem>>
    %dma_wait3A_199 = arith.constant 0 : i32
    %dma_wait3A_200 = arith.constant 0 : i32
    %dma_wait3A_201 = tpu.memref_slice %arg3[%dma_wait3A_199, %dma_wait3A_200] : memref<100000x64xf32, #tpu.memory_space<hbm>> -> memref<100000x64xf32, #tpu.memory_space<hbm>>
    %dma_wait3A_202 = tpu.memref_slice %arg7[%dma_wait3A_192] : memref<3x!tpu.dma_semaphore, #tpu.memory_space<semaphore_mem>> -> memref<1x!tpu.dma_semaphore, #tpu.memory_space<semaphore_mem>>
    %dma_wait3A_203 = tpu.memref_squeeze %dma_wait3A_202 : memref<1x!tpu.dma_semaphore, #tpu.memory_space<semaphore_mem>> -> memref<!tpu.dma_semaphore, #tpu.memory_space<semaphore_mem>>
    tpu.wait_indirect_dma semaphore(%dma_wait3A_203 : memref<!tpu.dma_semaphore, #tpu.memory_space<semaphore_mem>>) src(%dma_wait3A_201 : memref<100000x64xf32, #tpu.memory_space<hbm>>) dst(%dma_wait3A_196 : memref<640x64xf32, #tpu.memory_space<vmem>>)
    %add3A_204 = arith.constant 1920 : i32
    %add3A_205 = arith.addi %mul3A_2, %add3A_204 : i32
    %dma_start3A_206 = arith.constant 0 : i32
    %dma_start3A_207 = arith.constant 0 : i32
    %dma_start3A_208 = arith.constant 0 : i32
    %dma_start3A_209 = arith.constant 0 : i32
    %dma_start3A_210 = tpu.memref_slice %arg6[%dma_start3A_206, %dma_start3A_208, %dma_start3A_209] : memref<3x640x64xf32, #tpu.memory_space<vmem>> -> memref<1x640x64xf32, #tpu.memory_space<vmem>>
    %dma_start3A_211 = tpu.memref_squeeze %dma_start3A_210 : memref<1x640x64xf32, #tpu.memory_space<vmem>> -> memref<640x64xf32, #tpu.memory_space<vmem>>
    %dma_start3A_212 = arith.constant 0 : i32
    %dma_start3A_213 = tpu.memref_slice %arg4[%add3A_205, %dma_start3A_212] : memref<204800x64xf32, #tpu.memory_space<hbm>> -> memref<640x64xf32, #tpu.memory_space<hbm>>
    %dma_start3A_214 = tpu.memref_slice %arg8[%dma_start3A_207] : memref<3x!tpu.dma_semaphore, #tpu.memory_space<semaphore_mem>> -> memref<1x!tpu.dma_semaphore, #tpu.memory_space<semaphore_mem>>
    %dma_start3A_215 = tpu.memref_squeeze %dma_start3A_214 : memref<1x!tpu.dma_semaphore, #tpu.memory_space<semaphore_mem>> -> memref<!tpu.dma_semaphore, #tpu.memory_space<semaphore_mem>>
    %dma_start3A_216 = arith.constant 0 : i32
    %dma_start3A_217 = tpu.memref_slice %arg4[%add3A_205, %dma_start3A_216] : memref<204800x64xf32, #tpu.memory_space<hbm>> -> memref<640x64xf32, #tpu.memory_space<hbm>>
    %dma_start3A_218 = arith.constant 0 : i32
    %dma_start3A_219 = arith.constant 0 : i32
    %dma_start3A_220 = tpu.memref_slice %arg6[%dma_start3A_206, %dma_start3A_218, %dma_start3A_219] : memref<3x640x64xf32, #tpu.memory_space<vmem>> -> memref<1x640x64xf32, #tpu.memory_space<vmem>>
    %dma_start3A_221 = tpu.memref_squeeze %dma_start3A_220 : memref<1x640x64xf32, #tpu.memory_space<vmem>> -> memref<640x64xf32, #tpu.memory_space<vmem>>
    tpu.enqueue_dma source(%dma_start3A_221 : memref<640x64xf32, #tpu.memory_space<vmem>>) target(%dma_start3A_217 : memref<640x64xf32, #tpu.memory_space<hbm>>) target_semaphore(%dma_start3A_215 : memref<!tpu.dma_semaphore, #tpu.memory_space<semaphore_mem>>)
    %dma_wait3A_222 = arith.constant 2 : i32
    %dma_wait3A_223 = arith.constant 2 : i32
    %dma_wait3A_224 = arith.constant 0 : i32
    %dma_wait3A_225 = arith.constant 0 : i32
    %dma_wait3A_226 = tpu.memref_slice %arg6[%dma_wait3A_222, %dma_wait3A_224, %dma_wait3A_225] : memref<3x640x64xf32, #tpu.memory_space<vmem>> -> memref<1x640x64xf32, #tpu.memory_space<vmem>>
    %dma_wait3A_227 = tpu.memref_squeeze %dma_wait3A_226 : memref<1x640x64xf32, #tpu.memory_space<vmem>> -> memref<640x64xf32, #tpu.memory_space<vmem>>
    %dma_wait3A_228 = arith.constant 0 : i32
    %dma_wait3A_229 = tpu.memref_slice %arg4[%add3A_145, %dma_wait3A_228] : memref<204800x64xf32, #tpu.memory_space<hbm>> -> memref<640x64xf32, #tpu.memory_space<hbm>>
    %dma_wait3A_230 = tpu.memref_slice %arg8[%dma_wait3A_223] : memref<3x!tpu.dma_semaphore, #tpu.memory_space<semaphore_mem>> -> memref<1x!tpu.dma_semaphore, #tpu.memory_space<semaphore_mem>>
    %dma_wait3A_231 = tpu.memref_squeeze %dma_wait3A_230 : memref<1x!tpu.dma_semaphore, #tpu.memory_space<semaphore_mem>> -> memref<!tpu.dma_semaphore, #tpu.memory_space<semaphore_mem>>
    %dma_wait3A_232 = arith.constant 0 : i32
    %dma_wait3A_233 = tpu.memref_slice %arg4[%add3A_145, %dma_wait3A_232] : memref<204800x64xf32, #tpu.memory_space<hbm>> -> memref<640x64xf32, #tpu.memory_space<hbm>>
    %dma_wait3A_234 = arith.constant 0 : i32
    %dma_wait3A_235 = arith.constant 0 : i32
    %dma_wait3A_236 = tpu.memref_slice %arg6[%dma_wait3A_222, %dma_wait3A_234, %dma_wait3A_235] : memref<3x640x64xf32, #tpu.memory_space<vmem>> -> memref<1x640x64xf32, #tpu.memory_space<vmem>>
    %dma_wait3A_237 = tpu.memref_squeeze %dma_wait3A_236 : memref<1x640x64xf32, #tpu.memory_space<vmem>> -> memref<640x64xf32, #tpu.memory_space<vmem>>
    tpu.wait_dma2 semaphore(%dma_wait3A_231 : memref<!tpu.dma_semaphore, #tpu.memory_space<semaphore_mem>>) src(%dma_wait3A_237 : memref<640x64xf32, #tpu.memory_space<vmem>>) dst(%dma_wait3A_233 : memref<640x64xf32, #tpu.memory_space<hbm>>)
    %dma_start3A_238 = arith.constant 2 : i32
    %dma_start3A_239 = arith.constant 2 : i32
    %dma_start3A_240 = arith.constant 0 : i32
    %dma_start3A_241 = arith.constant 0 : i32
    %dma_start3A_242 = tpu.memref_slice %arg6[%dma_start3A_238, %dma_start3A_240, %dma_start3A_241] : memref<3x640x64xf32, #tpu.memory_space<vmem>> -> memref<1x640x64xf32, #tpu.memory_space<vmem>>
    %dma_start3A_243 = tpu.memref_squeeze %dma_start3A_242 : memref<1x640x64xf32, #tpu.memory_space<vmem>> -> memref<640x64xf32, #tpu.memory_space<vmem>>
    %dma_start3A_244 = arith.constant 3200 : i32
    %dma_start3A_245 = tpu.memref_slice %arg5[%dma_start3A_244] : memref<6400xi32, #tpu.memory_space<vmem>> -> memref<640xi32, #tpu.memory_space<vmem>>
    %dma_start3A_246 = arith.constant 0 : i32
    %dma_start3A_247 = arith.constant 0 : i32
    %dma_start3A_248 = tpu.memref_slice %arg3[%dma_start3A_246, %dma_start3A_247] : memref<100000x64xf32, #tpu.memory_space<hbm>> -> memref<100000x64xf32, #tpu.memory_space<hbm>>
    %dma_start3A_249 = tpu.memref_slice %arg7[%dma_start3A_239] : memref<3x!tpu.dma_semaphore, #tpu.memory_space<semaphore_mem>> -> memref<1x!tpu.dma_semaphore, #tpu.memory_space<semaphore_mem>>
    %dma_start3A_250 = tpu.memref_squeeze %dma_start3A_249 : memref<1x!tpu.dma_semaphore, #tpu.memory_space<semaphore_mem>> -> memref<!tpu.dma_semaphore, #tpu.memory_space<semaphore_mem>>
    tpu.enqueue_indirect_dma source(%dma_start3A_248 : memref<100000x64xf32, #tpu.memory_space<hbm>>) target(%dma_start3A_243 : memref<640x64xf32, #tpu.memory_space<vmem>>) offsets(%dma_start3A_245 : memref<640xi32, #tpu.memory_space<vmem>>) semaphore(%dma_start3A_250 : memref<!tpu.dma_semaphore, #tpu.memory_space<semaphore_mem>>)
    %dma_wait3A_251 = arith.constant 1 : i32
    %dma_wait3A_252 = arith.constant 1 : i32
    %dma_wait3A_253 = arith.constant 0 : i32
    %dma_wait3A_254 = arith.constant 0 : i32
    %dma_wait3A_255 = tpu.memref_slice %arg6[%dma_wait3A_251, %dma_wait3A_253, %dma_wait3A_254] : memref<3x640x64xf32, #tpu.memory_space<vmem>> -> memref<1x640x64xf32, #tpu.memory_space<vmem>>
    %dma_wait3A_256 = tpu.memref_squeeze %dma_wait3A_255 : memref<1x640x64xf32, #tpu.memory_space<vmem>> -> memref<640x64xf32, #tpu.memory_space<vmem>>
    %dma_wait3A_257 = arith.constant 2560 : i32
    %dma_wait3A_258 = tpu.memref_slice %arg5[%dma_wait3A_257] : memref<6400xi32, #tpu.memory_space<vmem>> -> memref<640xi32, #tpu.memory_space<vmem>>
    %dma_wait3A_259 = arith.constant 0 : i32
    %dma_wait3A_260 = arith.constant 0 : i32
    %dma_wait3A_261 = tpu.memref_slice %arg3[%dma_wait3A_259, %dma_wait3A_260] : memref<100000x64xf32, #tpu.memory_space<hbm>> -> memref<100000x64xf32, #tpu.memory_space<hbm>>
    %dma_wait3A_262 = tpu.memref_slice %arg7[%dma_wait3A_252] : memref<3x!tpu.dma_semaphore, #tpu.memory_space<semaphore_mem>> -> memref<1x!tpu.dma_semaphore, #tpu.memory_space<semaphore_mem>>
    %dma_wait3A_263 = tpu.memref_squeeze %dma_wait3A_262 : memref<1x!tpu.dma_semaphore, #tpu.memory_space<semaphore_mem>> -> memref<!tpu.dma_semaphore, #tpu.memory_space<semaphore_mem>>
    tpu.wait_indirect_dma semaphore(%dma_wait3A_263 : memref<!tpu.dma_semaphore, #tpu.memory_space<semaphore_mem>>) src(%dma_wait3A_261 : memref<100000x64xf32, #tpu.memory_space<hbm>>) dst(%dma_wait3A_256 : memref<640x64xf32, #tpu.memory_space<vmem>>)
    %add3A_264 = arith.constant 2560 : i32
    %add3A_265 = arith.addi %mul3A_2, %add3A_264 : i32
    %dma_start3A_266 = arith.constant 1 : i32
    %dma_start3A_267 = arith.constant 1 : i32
    %dma_start3A_268 = arith.constant 0 : i32
    %dma_start3A_269 = arith.constant 0 : i32
    %dma_start3A_270 = tpu.memref_slice %arg6[%dma_start3A_266, %dma_start3A_268, %dma_start3A_269] : memref<3x640x64xf32, #tpu.memory_space<vmem>> -> memref<1x640x64xf32, #tpu.memory_space<vmem>>
    %dma_start3A_271 = tpu.memref_squeeze %dma_start3A_270 : memref<1x640x64xf32, #tpu.memory_space<vmem>> -> memref<640x64xf32, #tpu.memory_space<vmem>>
    %dma_start3A_272 = arith.constant 0 : i32
    %dma_start3A_273 = tpu.memref_slice %arg4[%add3A_265, %dma_start3A_272] : memref<204800x64xf32, #tpu.memory_space<hbm>> -> memref<640x64xf32, #tpu.memory_space<hbm>>
    %dma_start3A_274 = tpu.memref_slice %arg8[%dma_start3A_267] : memref<3x!tpu.dma_semaphore, #tpu.memory_space<semaphore_mem>> -> memref<1x!tpu.dma_semaphore, #tpu.memory_space<semaphore_mem>>
    %dma_start3A_275 = tpu.memref_squeeze %dma_start3A_274 : memref<1x!tpu.dma_semaphore, #tpu.memory_space<semaphore_mem>> -> memref<!tpu.dma_semaphore, #tpu.memory_space<semaphore_mem>>
    %dma_start3A_276 = arith.constant 0 : i32
    %dma_start3A_277 = tpu.memref_slice %arg4[%add3A_265, %dma_start3A_276] : memref<204800x64xf32, #tpu.memory_space<hbm>> -> memref<640x64xf32, #tpu.memory_space<hbm>>
    %dma_start3A_278 = arith.constant 0 : i32
    %dma_start3A_279 = arith.constant 0 : i32
    %dma_start3A_280 = tpu.memref_slice %arg6[%dma_start3A_266, %dma_start3A_278, %dma_start3A_279] : memref<3x640x64xf32, #tpu.memory_space<vmem>> -> memref<1x640x64xf32, #tpu.memory_space<vmem>>
    %dma_start3A_281 = tpu.memref_squeeze %dma_start3A_280 : memref<1x640x64xf32, #tpu.memory_space<vmem>> -> memref<640x64xf32, #tpu.memory_space<vmem>>
    tpu.enqueue_dma source(%dma_start3A_281 : memref<640x64xf32, #tpu.memory_space<vmem>>) target(%dma_start3A_277 : memref<640x64xf32, #tpu.memory_space<hbm>>) target_semaphore(%dma_start3A_275 : memref<!tpu.dma_semaphore, #tpu.memory_space<semaphore_mem>>)
    %dma_wait3A_282 = arith.constant 0 : i32
    %dma_wait3A_283 = arith.constant 0 : i32
    %dma_wait3A_284 = arith.constant 0 : i32
    %dma_wait3A_285 = arith.constant 0 : i32
    %dma_wait3A_286 = tpu.memref_slice %arg6[%dma_wait3A_282, %dma_wait3A_284, %dma_wait3A_285] : memref<3x640x64xf32, #tpu.memory_space<vmem>> -> memref<1x640x64xf32, #tpu.memory_space<vmem>>
    %dma_wait3A_287 = tpu.memref_squeeze %dma_wait3A_286 : memref<1x640x64xf32, #tpu.memory_space<vmem>> -> memref<640x64xf32, #tpu.memory_space<vmem>>
    %dma_wait3A_288 = arith.constant 0 : i32
    %dma_wait3A_289 = tpu.memref_slice %arg4[%add3A_205, %dma_wait3A_288] : memref<204800x64xf32, #tpu.memory_space<hbm>> -> memref<640x64xf32, #tpu.memory_space<hbm>>
    %dma_wait3A_290 = tpu.memref_slice %arg8[%dma_wait3A_283] : memref<3x!tpu.dma_semaphore, #tpu.memory_space<semaphore_mem>> -> memref<1x!tpu.dma_semaphore, #tpu.memory_space<semaphore_mem>>
    %dma_wait3A_291 = tpu.memref_squeeze %dma_wait3A_290 : memref<1x!tpu.dma_semaphore, #tpu.memory_space<semaphore_mem>> -> memref<!tpu.dma_semaphore, #tpu.memory_space<semaphore_mem>>
    %dma_wait3A_292 = arith.constant 0 : i32
    %dma_wait3A_293 = tpu.memref_slice %arg4[%add3A_205, %dma_wait3A_292] : memref<204800x64xf32, #tpu.memory_space<hbm>> -> memref<640x64xf32, #tpu.memory_space<hbm>>
    %dma_wait3A_294 = arith.constant 0 : i32
    %dma_wait3A_295 = arith.constant 0 : i32
    %dma_wait3A_296 = tpu.memref_slice %arg6[%dma_wait3A_282, %dma_wait3A_294, %dma_wait3A_295] : memref<3x640x64xf32, #tpu.memory_space<vmem>> -> memref<1x640x64xf32, #tpu.memory_space<vmem>>
    %dma_wait3A_297 = tpu.memref_squeeze %dma_wait3A_296 : memref<1x640x64xf32, #tpu.memory_space<vmem>> -> memref<640x64xf32, #tpu.memory_space<vmem>>
    tpu.wait_dma2 semaphore(%dma_wait3A_291 : memref<!tpu.dma_semaphore, #tpu.memory_space<semaphore_mem>>) src(%dma_wait3A_297 : memref<640x64xf32, #tpu.memory_space<vmem>>) dst(%dma_wait3A_293 : memref<640x64xf32, #tpu.memory_space<hbm>>)
    %dma_start3A_298 = arith.constant 0 : i32
    %dma_start3A_299 = arith.constant 0 : i32
    %dma_start3A_300 = arith.constant 0 : i32
    %dma_start3A_301 = arith.constant 0 : i32
    %dma_start3A_302 = tpu.memref_slice %arg6[%dma_start3A_298, %dma_start3A_300, %dma_start3A_301] : memref<3x640x64xf32, #tpu.memory_space<vmem>> -> memref<1x640x64xf32, #tpu.memory_space<vmem>>
    %dma_start3A_303 = tpu.memref_squeeze %dma_start3A_302 : memref<1x640x64xf32, #tpu.memory_space<vmem>> -> memref<640x64xf32, #tpu.memory_space<vmem>>
    %dma_start3A_304 = arith.constant 3840 : i32
    %dma_start3A_305 = tpu.memref_slice %arg5[%dma_start3A_304] : memref<6400xi32, #tpu.memory_space<vmem>> -> memref<640xi32, #tpu.memory_space<vmem>>
    %dma_start3A_306 = arith.constant 0 : i32
    %dma_start3A_307 = arith.constant 0 : i32
    %dma_start3A_308 = tpu.memref_slice %arg3[%dma_start3A_306, %dma_start3A_307] : memref<100000x64xf32, #tpu.memory_space<hbm>> -> memref<100000x64xf32, #tpu.memory_space<hbm>>
    %dma_start3A_309 = tpu.memref_slice %arg7[%dma_start3A_299] : memref<3x!tpu.dma_semaphore, #tpu.memory_space<semaphore_mem>> -> memref<1x!tpu.dma_semaphore, #tpu.memory_space<semaphore_mem>>
    %dma_start3A_310 = tpu.memref_squeeze %dma_start3A_309 : memref<1x!tpu.dma_semaphore, #tpu.memory_space<semaphore_mem>> -> memref<!tpu.dma_semaphore, #tpu.memory_space<semaphore_mem>>
    tpu.enqueue_indirect_dma source(%dma_start3A_308 : memref<100000x64xf32, #tpu.memory_space<hbm>>) target(%dma_start3A_303 : memref<640x64xf32, #tpu.memory_space<vmem>>) offsets(%dma_start3A_305 : memref<640xi32, #tpu.memory_space<vmem>>) semaphore(%dma_start3A_310 : memref<!tpu.dma_semaphore, #tpu.memory_space<semaphore_mem>>)
    %dma_wait3A_311 = arith.constant 2 : i32
    %dma_wait3A_312 = arith.constant 2 : i32
    %dma_wait3A_313 = arith.constant 0 : i32
    %dma_wait3A_314 = arith.constant 0 : i32
    %dma_wait3A_315 = tpu.memref_slice %arg6[%dma_wait3A_311, %dma_wait3A_313, %dma_wait3A_314] : memref<3x640x64xf32, #tpu.memory_space<vmem>> -> memref<1x640x64xf32, #tpu.memory_space<vmem>>
    %dma_wait3A_316 = tpu.memref_squeeze %dma_wait3A_315 : memref<1x640x64xf32, #tpu.memory_space<vmem>> -> memref<640x64xf32, #tpu.memory_space<vmem>>
    %dma_wait3A_317 = arith.constant 3200 : i32
    %dma_wait3A_318 = tpu.memref_slice %arg5[%dma_wait3A_317] : memref<6400xi32, #tpu.memory_space<vmem>> -> memref<640xi32, #tpu.memory_space<vmem>>
    %dma_wait3A_319 = arith.constant 0 : i32
    %dma_wait3A_320 = arith.constant 0 : i32
    %dma_wait3A_321 = tpu.memref_slice %arg3[%dma_wait3A_319, %dma_wait3A_320] : memref<100000x64xf32, #tpu.memory_space<hbm>> -> memref<100000x64xf32, #tpu.memory_space<hbm>>
    %dma_wait3A_322 = tpu.memref_slice %arg7[%dma_wait3A_312] : memref<3x!tpu.dma_semaphore, #tpu.memory_space<semaphore_mem>> -> memref<1x!tpu.dma_semaphore, #tpu.memory_space<semaphore_mem>>
    %dma_wait3A_323 = tpu.memref_squeeze %dma_wait3A_322 : memref<1x!tpu.dma_semaphore, #tpu.memory_space<semaphore_mem>> -> memref<!tpu.dma_semaphore, #tpu.memory_space<semaphore_mem>>
    tpu.wait_indirect_dma semaphore(%dma_wait3A_323 : memref<!tpu.dma_semaphore, #tpu.memory_space<semaphore_mem>>) src(%dma_wait3A_321 : memref<100000x64xf32, #tpu.memory_space<hbm>>) dst(%dma_wait3A_316 : memref<640x64xf32, #tpu.memory_space<vmem>>)
    %add3A_324 = arith.constant 3200 : i32
    %add3A_325 = arith.addi %mul3A_2, %add3A_324 : i32
    %dma_start3A_326 = arith.constant 2 : i32
    %dma_start3A_327 = arith.constant 2 : i32
    %dma_start3A_328 = arith.constant 0 : i32
    %dma_start3A_329 = arith.constant 0 : i32
    %dma_start3A_330 = tpu.memref_slice %arg6[%dma_start3A_326, %dma_start3A_328, %dma_start3A_329] : memref<3x640x64xf32, #tpu.memory_space<vmem>> -> memref<1x640x64xf32, #tpu.memory_space<vmem>>
    %dma_start3A_331 = tpu.memref_squeeze %dma_start3A_330 : memref<1x640x64xf32, #tpu.memory_space<vmem>> -> memref<640x64xf32, #tpu.memory_space<vmem>>
    %dma_start3A_332 = arith.constant 0 : i32
    %dma_start3A_333 = tpu.memref_slice %arg4[%add3A_325, %dma_start3A_332] : memref<204800x64xf32, #tpu.memory_space<hbm>> -> memref<640x64xf32, #tpu.memory_space<hbm>>
    %dma_start3A_334 = tpu.memref_slice %arg8[%dma_start3A_327] : memref<3x!tpu.dma_semaphore, #tpu.memory_space<semaphore_mem>> -> memref<1x!tpu.dma_semaphore, #tpu.memory_space<semaphore_mem>>
    %dma_start3A_335 = tpu.memref_squeeze %dma_start3A_334 : memref<1x!tpu.dma_semaphore, #tpu.memory_space<semaphore_mem>> -> memref<!tpu.dma_semaphore, #tpu.memory_space<semaphore_mem>>
    %dma_start3A_336 = arith.constant 0 : i32
    %dma_start3A_337 = tpu.memref_slice %arg4[%add3A_325, %dma_start3A_336] : memref<204800x64xf32, #tpu.memory_space<hbm>> -> memref<640x64xf32, #tpu.memory_space<hbm>>
    %dma_start3A_338 = arith.constant 0 : i32
    %dma_start3A_339 = arith.constant 0 : i32
    %dma_start3A_340 = tpu.memref_slice %arg6[%dma_start3A_326, %dma_start3A_338, %dma_start3A_339] : memref<3x640x64xf32, #tpu.memory_space<vmem>> -> memref<1x640x64xf32, #tpu.memory_space<vmem>>
    %dma_start3A_341 = tpu.memref_squeeze %dma_start3A_340 : memref<1x640x64xf32, #tpu.memory_space<vmem>> -> memref<640x64xf32, #tpu.memory_space<vmem>>
    tpu.enqueue_dma source(%dma_start3A_341 : memref<640x64xf32, #tpu.memory_space<vmem>>) target(%dma_start3A_337 : memref<640x64xf32, #tpu.memory_space<hbm>>) target_semaphore(%dma_start3A_335 : memref<!tpu.dma_semaphore, #tpu.memory_space<semaphore_mem>>)
    %dma_wait3A_342 = arith.constant 1 : i32
    %dma_wait3A_343 = arith.constant 1 : i32
    %dma_wait3A_344 = arith.constant 0 : i32
    %dma_wait3A_345 = arith.constant 0 : i32
    %dma_wait3A_346 = tpu.memref_slice %arg6[%dma_wait3A_342, %dma_wait3A_344, %dma_wait3A_345] : memref<3x640x64xf32, #tpu.memory_space<vmem>> -> memref<1x640x64xf32, #tpu.memory_space<vmem>>
    %dma_wait3A_347 = tpu.memref_squeeze %dma_wait3A_346 : memref<1x640x64xf32, #tpu.memory_space<vmem>> -> memref<640x64xf32, #tpu.memory_space<vmem>>
    %dma_wait3A_348 = arith.constant 0 : i32
    %dma_wait3A_349 = tpu.memref_slice %arg4[%add3A_265, %dma_wait3A_348] : memref<204800x64xf32, #tpu.memory_space<hbm>> -> memref<640x64xf32, #tpu.memory_space<hbm>>
    %dma_wait3A_350 = tpu.memref_slice %arg8[%dma_wait3A_343] : memref<3x!tpu.dma_semaphore, #tpu.memory_space<semaphore_mem>> -> memref<1x!tpu.dma_semaphore, #tpu.memory_space<semaphore_mem>>
    %dma_wait3A_351 = tpu.memref_squeeze %dma_wait3A_350 : memref<1x!tpu.dma_semaphore, #tpu.memory_space<semaphore_mem>> -> memref<!tpu.dma_semaphore, #tpu.memory_space<semaphore_mem>>
    %dma_wait3A_352 = arith.constant 0 : i32
    %dma_wait3A_353 = tpu.memref_slice %arg4[%add3A_265, %dma_wait3A_352] : memref<204800x64xf32, #tpu.memory_space<hbm>> -> memref<640x64xf32, #tpu.memory_space<hbm>>
    %dma_wait3A_354 = arith.constant 0 : i32
    %dma_wait3A_355 = arith.constant 0 : i32
    %dma_wait3A_356 = tpu.memref_slice %arg6[%dma_wait3A_342, %dma_wait3A_354, %dma_wait3A_355] : memref<3x640x64xf32, #tpu.memory_space<vmem>> -> memref<1x640x64xf32, #tpu.memory_space<vmem>>
    %dma_wait3A_357 = tpu.memref_squeeze %dma_wait3A_356 : memref<1x640x64xf32, #tpu.memory_space<vmem>> -> memref<640x64xf32, #tpu.memory_space<vmem>>
    tpu.wait_dma2 semaphore(%dma_wait3A_351 : memref<!tpu.dma_semaphore, #tpu.memory_space<semaphore_mem>>) src(%dma_wait3A_357 : memref<640x64xf32, #tpu.memory_space<vmem>>) dst(%dma_wait3A_353 : memref<640x64xf32, #tpu.memory_space<hbm>>)
    %dma_start3A_358 = arith.constant 1 : i32
    %dma_start3A_359 = arith.constant 1 : i32
    %dma_start3A_360 = arith.constant 0 : i32
    %dma_start3A_361 = arith.constant 0 : i32
    %dma_start3A_362 = tpu.memref_slice %arg6[%dma_start3A_358, %dma_start3A_360, %dma_start3A_361] : memref<3x640x64xf32, #tpu.memory_space<vmem>> -> memref<1x640x64xf32, #tpu.memory_space<vmem>>
    %dma_start3A_363 = tpu.memref_squeeze %dma_start3A_362 : memref<1x640x64xf32, #tpu.memory_space<vmem>> -> memref<640x64xf32, #tpu.memory_space<vmem>>
    %dma_start3A_364 = arith.constant 4480 : i32
    %dma_start3A_365 = tpu.memref_slice %arg5[%dma_start3A_364] : memref<6400xi32, #tpu.memory_space<vmem>> -> memref<640xi32, #tpu.memory_space<vmem>>
    %dma_start3A_366 = arith.constant 0 : i32
    %dma_start3A_367 = arith.constant 0 : i32
    %dma_start3A_368 = tpu.memref_slice %arg3[%dma_start3A_366, %dma_start3A_367] : memref<100000x64xf32, #tpu.memory_space<hbm>> -> memref<100000x64xf32, #tpu.memory_space<hbm>>
    %dma_start3A_369 = tpu.memref_slice %arg7[%dma_start3A_359] : memref<3x!tpu.dma_semaphore, #tpu.memory_space<semaphore_mem>> -> memref<1x!tpu.dma_semaphore, #tpu.memory_space<semaphore_mem>>
    %dma_start3A_370 = tpu.memref_squeeze %dma_start3A_369 : memref<1x!tpu.dma_semaphore, #tpu.memory_space<semaphore_mem>> -> memref<!tpu.dma_semaphore, #tpu.memory_space<semaphore_mem>>
    tpu.enqueue_indirect_dma source(%dma_start3A_368 : memref<100000x64xf32, #tpu.memory_space<hbm>>) target(%dma_start3A_363 : memref<640x64xf32, #tpu.memory_space<vmem>>) offsets(%dma_start3A_365 : memref<640xi32, #tpu.memory_space<vmem>>) semaphore(%dma_start3A_370 : memref<!tpu.dma_semaphore, #tpu.memory_space<semaphore_mem>>)
    %dma_wait3A_371 = arith.constant 0 : i32
    %dma_wait3A_372 = arith.constant 0 : i32
    %dma_wait3A_373 = arith.constant 0 : i32
    %dma_wait3A_374 = arith.constant 0 : i32
    %dma_wait3A_375 = tpu.memref_slice %arg6[%dma_wait3A_371, %dma_wait3A_373, %dma_wait3A_374] : memref<3x640x64xf32, #tpu.memory_space<vmem>> -> memref<1x640x64xf32, #tpu.memory_space<vmem>>
    %dma_wait3A_376 = tpu.memref_squeeze %dma_wait3A_375 : memref<1x640x64xf32, #tpu.memory_space<vmem>> -> memref<640x64xf32, #tpu.memory_space<vmem>>
    %dma_wait3A_377 = arith.constant 3840 : i32
    %dma_wait3A_378 = tpu.memref_slice %arg5[%dma_wait3A_377] : memref<6400xi32, #tpu.memory_space<vmem>> -> memref<640xi32, #tpu.memory_space<vmem>>
    %dma_wait3A_379 = arith.constant 0 : i32
    %dma_wait3A_380 = arith.constant 0 : i32
    %dma_wait3A_381 = tpu.memref_slice %arg3[%dma_wait3A_379, %dma_wait3A_380] : memref<100000x64xf32, #tpu.memory_space<hbm>> -> memref<100000x64xf32, #tpu.memory_space<hbm>>
    %dma_wait3A_382 = tpu.memref_slice %arg7[%dma_wait3A_372] : memref<3x!tpu.dma_semaphore, #tpu.memory_space<semaphore_mem>> -> memref<1x!tpu.dma_semaphore, #tpu.memory_space<semaphore_mem>>
    %dma_wait3A_383 = tpu.memref_squeeze %dma_wait3A_382 : memref<1x!tpu.dma_semaphore, #tpu.memory_space<semaphore_mem>> -> memref<!tpu.dma_semaphore, #tpu.memory_space<semaphore_mem>>
    tpu.wait_indirect_dma semaphore(%dma_wait3A_383 : memref<!tpu.dma_semaphore, #tpu.memory_space<semaphore_mem>>) src(%dma_wait3A_381 : memref<100000x64xf32, #tpu.memory_space<hbm>>) dst(%dma_wait3A_376 : memref<640x64xf32, #tpu.memory_space<vmem>>)
    %add3A_384 = arith.constant 3840 : i32
    %add3A_385 = arith.addi %mul3A_2, %add3A_384 : i32
    %dma_start3A_386 = arith.constant 0 : i32
    %dma_start3A_387 = arith.constant 0 : i32
    %dma_start3A_388 = arith.constant 0 : i32
    %dma_start3A_389 = arith.constant 0 : i32
    %dma_start3A_390 = tpu.memref_slice %arg6[%dma_start3A_386, %dma_start3A_388, %dma_start3A_389] : memref<3x640x64xf32, #tpu.memory_space<vmem>> -> memref<1x640x64xf32, #tpu.memory_space<vmem>>
    %dma_start3A_391 = tpu.memref_squeeze %dma_start3A_390 : memref<1x640x64xf32, #tpu.memory_space<vmem>> -> memref<640x64xf32, #tpu.memory_space<vmem>>
    %dma_start3A_392 = arith.constant 0 : i32
    %dma_start3A_393 = tpu.memref_slice %arg4[%add3A_385, %dma_start3A_392] : memref<204800x64xf32, #tpu.memory_space<hbm>> -> memref<640x64xf32, #tpu.memory_space<hbm>>
    %dma_start3A_394 = tpu.memref_slice %arg8[%dma_start3A_387] : memref<3x!tpu.dma_semaphore, #tpu.memory_space<semaphore_mem>> -> memref<1x!tpu.dma_semaphore, #tpu.memory_space<semaphore_mem>>
    %dma_start3A_395 = tpu.memref_squeeze %dma_start3A_394 : memref<1x!tpu.dma_semaphore, #tpu.memory_space<semaphore_mem>> -> memref<!tpu.dma_semaphore, #tpu.memory_space<semaphore_mem>>
    %dma_start3A_396 = arith.constant 0 : i32
    %dma_start3A_397 = tpu.memref_slice %arg4[%add3A_385, %dma_start3A_396] : memref<204800x64xf32, #tpu.memory_space<hbm>> -> memref<640x64xf32, #tpu.memory_space<hbm>>
    %dma_start3A_398 = arith.constant 0 : i32
    %dma_start3A_399 = arith.constant 0 : i32
    %dma_start3A_400 = tpu.memref_slice %arg6[%dma_start3A_386, %dma_start3A_398, %dma_start3A_399] : memref<3x640x64xf32, #tpu.memory_space<vmem>> -> memref<1x640x64xf32, #tpu.memory_space<vmem>>
    %dma_start3A_401 = tpu.memref_squeeze %dma_start3A_400 : memref<1x640x64xf32, #tpu.memory_space<vmem>> -> memref<640x64xf32, #tpu.memory_space<vmem>>
    tpu.enqueue_dma source(%dma_start3A_401 : memref<640x64xf32, #tpu.memory_space<vmem>>) target(%dma_start3A_397 : memref<640x64xf32, #tpu.memory_space<hbm>>) target_semaphore(%dma_start3A_395 : memref<!tpu.dma_semaphore, #tpu.memory_space<semaphore_mem>>)
    %dma_wait3A_402 = arith.constant 2 : i32
    %dma_wait3A_403 = arith.constant 2 : i32
    %dma_wait3A_404 = arith.constant 0 : i32
    %dma_wait3A_405 = arith.constant 0 : i32
    %dma_wait3A_406 = tpu.memref_slice %arg6[%dma_wait3A_402, %dma_wait3A_404, %dma_wait3A_405] : memref<3x640x64xf32, #tpu.memory_space<vmem>> -> memref<1x640x64xf32, #tpu.memory_space<vmem>>
    %dma_wait3A_407 = tpu.memref_squeeze %dma_wait3A_406 : memref<1x640x64xf32, #tpu.memory_space<vmem>> -> memref<640x64xf32, #tpu.memory_space<vmem>>
    %dma_wait3A_408 = arith.constant 0 : i32
    %dma_wait3A_409 = tpu.memref_slice %arg4[%add3A_325, %dma_wait3A_408] : memref<204800x64xf32, #tpu.memory_space<hbm>> -> memref<640x64xf32, #tpu.memory_space<hbm>>
    %dma_wait3A_410 = tpu.memref_slice %arg8[%dma_wait3A_403] : memref<3x!tpu.dma_semaphore, #tpu.memory_space<semaphore_mem>> -> memref<1x!tpu.dma_semaphore, #tpu.memory_space<semaphore_mem>>
    %dma_wait3A_411 = tpu.memref_squeeze %dma_wait3A_410 : memref<1x!tpu.dma_semaphore, #tpu.memory_space<semaphore_mem>> -> memref<!tpu.dma_semaphore, #tpu.memory_space<semaphore_mem>>
    %dma_wait3A_412 = arith.constant 0 : i32
    %dma_wait3A_413 = tpu.memref_slice %arg4[%add3A_325, %dma_wait3A_412] : memref<204800x64xf32, #tpu.memory_space<hbm>> -> memref<640x64xf32, #tpu.memory_space<hbm>>
    %dma_wait3A_414 = arith.constant 0 : i32
    %dma_wait3A_415 = arith.constant 0 : i32
    %dma_wait3A_416 = tpu.memref_slice %arg6[%dma_wait3A_402, %dma_wait3A_414, %dma_wait3A_415] : memref<3x640x64xf32, #tpu.memory_space<vmem>> -> memref<1x640x64xf32, #tpu.memory_space<vmem>>
    %dma_wait3A_417 = tpu.memref_squeeze %dma_wait3A_416 : memref<1x640x64xf32, #tpu.memory_space<vmem>> -> memref<640x64xf32, #tpu.memory_space<vmem>>
    tpu.wait_dma2 semaphore(%dma_wait3A_411 : memref<!tpu.dma_semaphore, #tpu.memory_space<semaphore_mem>>) src(%dma_wait3A_417 : memref<640x64xf32, #tpu.memory_space<vmem>>) dst(%dma_wait3A_413 : memref<640x64xf32, #tpu.memory_space<hbm>>)
    %dma_start3A_418 = arith.constant 2 : i32
    %dma_start3A_419 = arith.constant 2 : i32
    %dma_start3A_420 = arith.constant 0 : i32
    %dma_start3A_421 = arith.constant 0 : i32
    %dma_start3A_422 = tpu.memref_slice %arg6[%dma_start3A_418, %dma_start3A_420, %dma_start3A_421] : memref<3x640x64xf32, #tpu.memory_space<vmem>> -> memref<1x640x64xf32, #tpu.memory_space<vmem>>
    %dma_start3A_423 = tpu.memref_squeeze %dma_start3A_422 : memref<1x640x64xf32, #tpu.memory_space<vmem>> -> memref<640x64xf32, #tpu.memory_space<vmem>>
    %dma_start3A_424 = arith.constant 5120 : i32
    %dma_start3A_425 = tpu.memref_slice %arg5[%dma_start3A_424] : memref<6400xi32, #tpu.memory_space<vmem>> -> memref<640xi32, #tpu.memory_space<vmem>>
    %dma_start3A_426 = arith.constant 0 : i32
    %dma_start3A_427 = arith.constant 0 : i32
    %dma_start3A_428 = tpu.memref_slice %arg3[%dma_start3A_426, %dma_start3A_427] : memref<100000x64xf32, #tpu.memory_space<hbm>> -> memref<100000x64xf32, #tpu.memory_space<hbm>>
    %dma_start3A_429 = tpu.memref_slice %arg7[%dma_start3A_419] : memref<3x!tpu.dma_semaphore, #tpu.memory_space<semaphore_mem>> -> memref<1x!tpu.dma_semaphore, #tpu.memory_space<semaphore_mem>>
    %dma_start3A_430 = tpu.memref_squeeze %dma_start3A_429 : memref<1x!tpu.dma_semaphore, #tpu.memory_space<semaphore_mem>> -> memref<!tpu.dma_semaphore, #tpu.memory_space<semaphore_mem>>
    tpu.enqueue_indirect_dma source(%dma_start3A_428 : memref<100000x64xf32, #tpu.memory_space<hbm>>) target(%dma_start3A_423 : memref<640x64xf32, #tpu.memory_space<vmem>>) offsets(%dma_start3A_425 : memref<640xi32, #tpu.memory_space<vmem>>) semaphore(%dma_start3A_430 : memref<!tpu.dma_semaphore, #tpu.memory_space<semaphore_mem>>)
    %dma_wait3A_431 = arith.constant 1 : i32
    %dma_wait3A_432 = arith.constant 1 : i32
    %dma_wait3A_433 = arith.constant 0 : i32
    %dma_wait3A_434 = arith.constant 0 : i32
    %dma_wait3A_435 = tpu.memref_slice %arg6[%dma_wait3A_431, %dma_wait3A_433, %dma_wait3A_434] : memref<3x640x64xf32, #tpu.memory_space<vmem>> -> memref<1x640x64xf32, #tpu.memory_space<vmem>>
    %dma_wait3A_436 = tpu.memref_squeeze %dma_wait3A_435 : memref<1x640x64xf32, #tpu.memory_space<vmem>> -> memref<640x64xf32, #tpu.memory_space<vmem>>
    %dma_wait3A_437 = arith.constant 4480 : i32
    %dma_wait3A_438 = tpu.memref_slice %arg5[%dma_wait3A_437] : memref<6400xi32, #tpu.memory_space<vmem>> -> memref<640xi32, #tpu.memory_space<vmem>>
    %dma_wait3A_439 = arith.constant 0 : i32
    %dma_wait3A_440 = arith.constant 0 : i32
    %dma_wait3A_441 = tpu.memref_slice %arg3[%dma_wait3A_439, %dma_wait3A_440] : memref<100000x64xf32, #tpu.memory_space<hbm>> -> memref<100000x64xf32, #tpu.memory_space<hbm>>
    %dma_wait3A_442 = tpu.memref_slice %arg7[%dma_wait3A_432] : memref<3x!tpu.dma_semaphore, #tpu.memory_space<semaphore_mem>> -> memref<1x!tpu.dma_semaphore, #tpu.memory_space<semaphore_mem>>
    %dma_wait3A_443 = tpu.memref_squeeze %dma_wait3A_442 : memref<1x!tpu.dma_semaphore, #tpu.memory_space<semaphore_mem>> -> memref<!tpu.dma_semaphore, #tpu.memory_space<semaphore_mem>>
    tpu.wait_indirect_dma semaphore(%dma_wait3A_443 : memref<!tpu.dma_semaphore, #tpu.memory_space<semaphore_mem>>) src(%dma_wait3A_441 : memref<100000x64xf32, #tpu.memory_space<hbm>>) dst(%dma_wait3A_436 : memref<640x64xf32, #tpu.memory_space<vmem>>)
    %add3A_444 = arith.constant 4480 : i32
    %add3A_445 = arith.addi %mul3A_2, %add3A_444 : i32
    %dma_start3A_446 = arith.constant 1 : i32
    %dma_start3A_447 = arith.constant 1 : i32
    %dma_start3A_448 = arith.constant 0 : i32
    %dma_start3A_449 = arith.constant 0 : i32
    %dma_start3A_450 = tpu.memref_slice %arg6[%dma_start3A_446, %dma_start3A_448, %dma_start3A_449] : memref<3x640x64xf32, #tpu.memory_space<vmem>> -> memref<1x640x64xf32, #tpu.memory_space<vmem>>
    %dma_start3A_451 = tpu.memref_squeeze %dma_start3A_450 : memref<1x640x64xf32, #tpu.memory_space<vmem>> -> memref<640x64xf32, #tpu.memory_space<vmem>>
    %dma_start3A_452 = arith.constant 0 : i32
    %dma_start3A_453 = tpu.memref_slice %arg4[%add3A_445, %dma_start3A_452] : memref<204800x64xf32, #tpu.memory_space<hbm>> -> memref<640x64xf32, #tpu.memory_space<hbm>>
    %dma_start3A_454 = tpu.memref_slice %arg8[%dma_start3A_447] : memref<3x!tpu.dma_semaphore, #tpu.memory_space<semaphore_mem>> -> memref<1x!tpu.dma_semaphore, #tpu.memory_space<semaphore_mem>>
    %dma_start3A_455 = tpu.memref_squeeze %dma_start3A_454 : memref<1x!tpu.dma_semaphore, #tpu.memory_space<semaphore_mem>> -> memref<!tpu.dma_semaphore, #tpu.memory_space<semaphore_mem>>
    %dma_start3A_456 = arith.constant 0 : i32
    %dma_start3A_457 = tpu.memref_slice %arg4[%add3A_445, %dma_start3A_456] : memref<204800x64xf32, #tpu.memory_space<hbm>> -> memref<640x64xf32, #tpu.memory_space<hbm>>
    %dma_start3A_458 = arith.constant 0 : i32
    %dma_start3A_459 = arith.constant 0 : i32
    %dma_start3A_460 = tpu.memref_slice %arg6[%dma_start3A_446, %dma_start3A_458, %dma_start3A_459] : memref<3x640x64xf32, #tpu.memory_space<vmem>> -> memref<1x640x64xf32, #tpu.memory_space<vmem>>
    %dma_start3A_461 = tpu.memref_squeeze %dma_start3A_460 : memref<1x640x64xf32, #tpu.memory_space<vmem>> -> memref<640x64xf32, #tpu.memory_space<vmem>>
    tpu.enqueue_dma source(%dma_start3A_461 : memref<640x64xf32, #tpu.memory_space<vmem>>) target(%dma_start3A_457 : memref<640x64xf32, #tpu.memory_space<hbm>>) target_semaphore(%dma_start3A_455 : memref<!tpu.dma_semaphore, #tpu.memory_space<semaphore_mem>>)
    %dma_wait3A_462 = arith.constant 0 : i32
    %dma_wait3A_463 = arith.constant 0 : i32
    %dma_wait3A_464 = arith.constant 0 : i32
    %dma_wait3A_465 = arith.constant 0 : i32
    %dma_wait3A_466 = tpu.memref_slice %arg6[%dma_wait3A_462, %dma_wait3A_464, %dma_wait3A_465] : memref<3x640x64xf32, #tpu.memory_space<vmem>> -> memref<1x640x64xf32, #tpu.memory_space<vmem>>
    %dma_wait3A_467 = tpu.memref_squeeze %dma_wait3A_466 : memref<1x640x64xf32, #tpu.memory_space<vmem>> -> memref<640x64xf32, #tpu.memory_space<vmem>>
    %dma_wait3A_468 = arith.constant 0 : i32
    %dma_wait3A_469 = tpu.memref_slice %arg4[%add3A_385, %dma_wait3A_468] : memref<204800x64xf32, #tpu.memory_space<hbm>> -> memref<640x64xf32, #tpu.memory_space<hbm>>
    %dma_wait3A_470 = tpu.memref_slice %arg8[%dma_wait3A_463] : memref<3x!tpu.dma_semaphore, #tpu.memory_space<semaphore_mem>> -> memref<1x!tpu.dma_semaphore, #tpu.memory_space<semaphore_mem>>
    %dma_wait3A_471 = tpu.memref_squeeze %dma_wait3A_470 : memref<1x!tpu.dma_semaphore, #tpu.memory_space<semaphore_mem>> -> memref<!tpu.dma_semaphore, #tpu.memory_space<semaphore_mem>>
    %dma_wait3A_472 = arith.constant 0 : i32
    %dma_wait3A_473 = tpu.memref_slice %arg4[%add3A_385, %dma_wait3A_472] : memref<204800x64xf32, #tpu.memory_space<hbm>> -> memref<640x64xf32, #tpu.memory_space<hbm>>
    %dma_wait3A_474 = arith.constant 0 : i32
    %dma_wait3A_475 = arith.constant 0 : i32
    %dma_wait3A_476 = tpu.memref_slice %arg6[%dma_wait3A_462, %dma_wait3A_474, %dma_wait3A_475] : memref<3x640x64xf32, #tpu.memory_space<vmem>> -> memref<1x640x64xf32, #tpu.memory_space<vmem>>
    %dma_wait3A_477 = tpu.memref_squeeze %dma_wait3A_476 : memref<1x640x64xf32, #tpu.memory_space<vmem>> -> memref<640x64xf32, #tpu.memory_space<vmem>>
    tpu.wait_dma2 semaphore(%dma_wait3A_471 : memref<!tpu.dma_semaphore, #tpu.memory_space<semaphore_mem>>) src(%dma_wait3A_477 : memref<640x64xf32, #tpu.memory_space<vmem>>) dst(%dma_wait3A_473 : memref<640x64xf32, #tpu.memory_space<hbm>>)
    %dma_start3A_478 = arith.constant 0 : i32
    %dma_start3A_479 = arith.constant 0 : i32
    %dma_start3A_480 = arith.constant 0 : i32
    %dma_start3A_481 = arith.constant 0 : i32
    %dma_start3A_482 = tpu.memref_slice %arg6[%dma_start3A_478, %dma_start3A_480, %dma_start3A_481] : memref<3x640x64xf32, #tpu.memory_space<vmem>> -> memref<1x640x64xf32, #tpu.memory_space<vmem>>
    %dma_start3A_483 = tpu.memref_squeeze %dma_start3A_482 : memref<1x640x64xf32, #tpu.memory_space<vmem>> -> memref<640x64xf32, #tpu.memory_space<vmem>>
    %dma_start3A_484 = arith.constant 5760 : i32
    %dma_start3A_485 = tpu.memref_slice %arg5[%dma_start3A_484] : memref<6400xi32, #tpu.memory_space<vmem>> -> memref<640xi32, #tpu.memory_space<vmem>>
    %dma_start3A_486 = arith.constant 0 : i32
    %dma_start3A_487 = arith.constant 0 : i32
    %dma_start3A_488 = tpu.memref_slice %arg3[%dma_start3A_486, %dma_start3A_487] : memref<100000x64xf32, #tpu.memory_space<hbm>> -> memref<100000x64xf32, #tpu.memory_space<hbm>>
    %dma_start3A_489 = tpu.memref_slice %arg7[%dma_start3A_479] : memref<3x!tpu.dma_semaphore, #tpu.memory_space<semaphore_mem>> -> memref<1x!tpu.dma_semaphore, #tpu.memory_space<semaphore_mem>>
    %dma_start3A_490 = tpu.memref_squeeze %dma_start3A_489 : memref<1x!tpu.dma_semaphore, #tpu.memory_space<semaphore_mem>> -> memref<!tpu.dma_semaphore, #tpu.memory_space<semaphore_mem>>
    tpu.enqueue_indirect_dma source(%dma_start3A_488 : memref<100000x64xf32, #tpu.memory_space<hbm>>) target(%dma_start3A_483 : memref<640x64xf32, #tpu.memory_space<vmem>>) offsets(%dma_start3A_485 : memref<640xi32, #tpu.memory_space<vmem>>) semaphore(%dma_start3A_490 : memref<!tpu.dma_semaphore, #tpu.memory_space<semaphore_mem>>)
    %dma_wait3A_491 = arith.constant 2 : i32
    %dma_wait3A_492 = arith.constant 2 : i32
    %dma_wait3A_493 = arith.constant 0 : i32
    %dma_wait3A_494 = arith.constant 0 : i32
    %dma_wait3A_495 = tpu.memref_slice %arg6[%dma_wait3A_491, %dma_wait3A_493, %dma_wait3A_494] : memref<3x640x64xf32, #tpu.memory_space<vmem>> -> memref<1x640x64xf32, #tpu.memory_space<vmem>>
    %dma_wait3A_496 = tpu.memref_squeeze %dma_wait3A_495 : memref<1x640x64xf32, #tpu.memory_space<vmem>> -> memref<640x64xf32, #tpu.memory_space<vmem>>
    %dma_wait3A_497 = arith.constant 5120 : i32
    %dma_wait3A_498 = tpu.memref_slice %arg5[%dma_wait3A_497] : memref<6400xi32, #tpu.memory_space<vmem>> -> memref<640xi32, #tpu.memory_space<vmem>>
    %dma_wait3A_499 = arith.constant 0 : i32
    %dma_wait3A_500 = arith.constant 0 : i32
    %dma_wait3A_501 = tpu.memref_slice %arg3[%dma_wait3A_499, %dma_wait3A_500] : memref<100000x64xf32, #tpu.memory_space<hbm>> -> memref<100000x64xf32, #tpu.memory_space<hbm>>
    %dma_wait3A_502 = tpu.memref_slice %arg7[%dma_wait3A_492] : memref<3x!tpu.dma_semaphore, #tpu.memory_space<semaphore_mem>> -> memref<1x!tpu.dma_semaphore, #tpu.memory_space<semaphore_mem>>
    %dma_wait3A_503 = tpu.memref_squeeze %dma_wait3A_502 : memref<1x!tpu.dma_semaphore, #tpu.memory_space<semaphore_mem>> -> memref<!tpu.dma_semaphore, #tpu.memory_space<semaphore_mem>>
    tpu.wait_indirect_dma semaphore(%dma_wait3A_503 : memref<!tpu.dma_semaphore, #tpu.memory_space<semaphore_mem>>) src(%dma_wait3A_501 : memref<100000x64xf32, #tpu.memory_space<hbm>>) dst(%dma_wait3A_496 : memref<640x64xf32, #tpu.memory_space<vmem>>)
    %add3A_504 = arith.constant 5120 : i32
    %add3A_505 = arith.addi %mul3A_2, %add3A_504 : i32
    %dma_start3A_506 = arith.constant 2 : i32
    %dma_start3A_507 = arith.constant 2 : i32
    %dma_start3A_508 = arith.constant 0 : i32
    %dma_start3A_509 = arith.constant 0 : i32
    %dma_start3A_510 = tpu.memref_slice %arg6[%dma_start3A_506, %dma_start3A_508, %dma_start3A_509] : memref<3x640x64xf32, #tpu.memory_space<vmem>> -> memref<1x640x64xf32, #tpu.memory_space<vmem>>
    %dma_start3A_511 = tpu.memref_squeeze %dma_start3A_510 : memref<1x640x64xf32, #tpu.memory_space<vmem>> -> memref<640x64xf32, #tpu.memory_space<vmem>>
    %dma_start3A_512 = arith.constant 0 : i32
    %dma_start3A_513 = tpu.memref_slice %arg4[%add3A_505, %dma_start3A_512] : memref<204800x64xf32, #tpu.memory_space<hbm>> -> memref<640x64xf32, #tpu.memory_space<hbm>>
    %dma_start3A_514 = tpu.memref_slice %arg8[%dma_start3A_507] : memref<3x!tpu.dma_semaphore, #tpu.memory_space<semaphore_mem>> -> memref<1x!tpu.dma_semaphore, #tpu.memory_space<semaphore_mem>>
    %dma_start3A_515 = tpu.memref_squeeze %dma_start3A_514 : memref<1x!tpu.dma_semaphore, #tpu.memory_space<semaphore_mem>> -> memref<!tpu.dma_semaphore, #tpu.memory_space<semaphore_mem>>
    %dma_start3A_516 = arith.constant 0 : i32
    %dma_start3A_517 = tpu.memref_slice %arg4[%add3A_505, %dma_start3A_516] : memref<204800x64xf32, #tpu.memory_space<hbm>> -> memref<640x64xf32, #tpu.memory_space<hbm>>
    %dma_start3A_518 = arith.constant 0 : i32
    %dma_start3A_519 = arith.constant 0 : i32
    %dma_start3A_520 = tpu.memref_slice %arg6[%dma_start3A_506, %dma_start3A_518, %dma_start3A_519] : memref<3x640x64xf32, #tpu.memory_space<vmem>> -> memref<1x640x64xf32, #tpu.memory_space<vmem>>
    %dma_start3A_521 = tpu.memref_squeeze %dma_start3A_520 : memref<1x640x64xf32, #tpu.memory_space<vmem>> -> memref<640x64xf32, #tpu.memory_space<vmem>>
    tpu.enqueue_dma source(%dma_start3A_521 : memref<640x64xf32, #tpu.memory_space<vmem>>) target(%dma_start3A_517 : memref<640x64xf32, #tpu.memory_space<hbm>>) target_semaphore(%dma_start3A_515 : memref<!tpu.dma_semaphore, #tpu.memory_space<semaphore_mem>>)
    %dma_wait3A_522 = arith.constant 0 : i32
    %dma_wait3A_523 = arith.constant 0 : i32
    %dma_wait3A_524 = arith.constant 0 : i32
    %dma_wait3A_525 = arith.constant 0 : i32
    %dma_wait3A_526 = tpu.memref_slice %arg6[%dma_wait3A_522, %dma_wait3A_524, %dma_wait3A_525] : memref<3x640x64xf32, #tpu.memory_space<vmem>> -> memref<1x640x64xf32, #tpu.memory_space<vmem>>
    %dma_wait3A_527 = tpu.memref_squeeze %dma_wait3A_526 : memref<1x640x64xf32, #tpu.memory_space<vmem>> -> memref<640x64xf32, #tpu.memory_space<vmem>>
    %dma_wait3A_528 = arith.constant 5760 : i32
    %dma_wait3A_529 = tpu.memref_slice %arg5[%dma_wait3A_528] : memref<6400xi32, #tpu.memory_space<vmem>> -> memref<640xi32, #tpu.memory_space<vmem>>
    %dma_wait3A_530 = arith.constant 0 : i32
    %dma_wait3A_531 = arith.constant 0 : i32
    %dma_wait3A_532 = tpu.memref_slice %arg3[%dma_wait3A_530, %dma_wait3A_531] : memref<100000x64xf32, #tpu.memory_space<hbm>> -> memref<100000x64xf32, #tpu.memory_space<hbm>>
    %dma_wait3A_533 = tpu.memref_slice %arg7[%dma_wait3A_523] : memref<3x!tpu.dma_semaphore, #tpu.memory_space<semaphore_mem>> -> memref<1x!tpu.dma_semaphore, #tpu.memory_space<semaphore_mem>>
    %dma_wait3A_534 = tpu.memref_squeeze %dma_wait3A_533 : memref<1x!tpu.dma_semaphore, #tpu.memory_space<semaphore_mem>> -> memref<!tpu.dma_semaphore, #tpu.memory_space<semaphore_mem>>
    tpu.wait_indirect_dma semaphore(%dma_wait3A_534 : memref<!tpu.dma_semaphore, #tpu.memory_space<semaphore_mem>>) src(%dma_wait3A_532 : memref<100000x64xf32, #tpu.memory_space<hbm>>) dst(%dma_wait3A_527 : memref<640x64xf32, #tpu.memory_space<vmem>>)
    %add3A_535 = arith.constant 5760 : i32
    %add3A_536 = arith.addi %mul3A_2, %add3A_535 : i32
    %dma_start3A_537 = arith.constant 0 : i32
    %dma_start3A_538 = arith.constant 0 : i32
    %dma_start3A_539 = arith.constant 0 : i32
    %dma_start3A_540 = arith.constant 0 : i32
    %dma_start3A_541 = tpu.memref_slice %arg6[%dma_start3A_537, %dma_start3A_539, %dma_start3A_540] : memref<3x640x64xf32, #tpu.memory_space<vmem>> -> memref<1x640x64xf32, #tpu.memory_space<vmem>>
    %dma_start3A_542 = tpu.memref_squeeze %dma_start3A_541 : memref<1x640x64xf32, #tpu.memory_space<vmem>> -> memref<640x64xf32, #tpu.memory_space<vmem>>
    %dma_start3A_543 = arith.constant 0 : i32
    %dma_start3A_544 = tpu.memref_slice %arg4[%add3A_536, %dma_start3A_543] : memref<204800x64xf32, #tpu.memory_space<hbm>> -> memref<640x64xf32, #tpu.memory_space<hbm>>
    %dma_start3A_545 = tpu.memref_slice %arg8[%dma_start3A_538] : memref<3x!tpu.dma_semaphore, #tpu.memory_space<semaphore_mem>> -> memref<1x!tpu.dma_semaphore, #tpu.memory_space<semaphore_mem>>
    %dma_start3A_546 = tpu.memref_squeeze %dma_start3A_545 : memref<1x!tpu.dma_semaphore, #tpu.memory_space<semaphore_mem>> -> memref<!tpu.dma_semaphore, #tpu.memory_space<semaphore_mem>>
    %dma_start3A_547 = arith.constant 0 : i32
    %dma_start3A_548 = tpu.memref_slice %arg4[%add3A_536, %dma_start3A_547] : memref<204800x64xf32, #tpu.memory_space<hbm>> -> memref<640x64xf32, #tpu.memory_space<hbm>>
    %dma_start3A_549 = arith.constant 0 : i32
    %dma_start3A_550 = arith.constant 0 : i32
    %dma_start3A_551 = tpu.memref_slice %arg6[%dma_start3A_537, %dma_start3A_549, %dma_start3A_550] : memref<3x640x64xf32, #tpu.memory_space<vmem>> -> memref<1x640x64xf32, #tpu.memory_space<vmem>>
    %dma_start3A_552 = tpu.memref_squeeze %dma_start3A_551 : memref<1x640x64xf32, #tpu.memory_space<vmem>> -> memref<640x64xf32, #tpu.memory_space<vmem>>
    tpu.enqueue_dma source(%dma_start3A_552 : memref<640x64xf32, #tpu.memory_space<vmem>>) target(%dma_start3A_548 : memref<640x64xf32, #tpu.memory_space<hbm>>) target_semaphore(%dma_start3A_546 : memref<!tpu.dma_semaphore, #tpu.memory_space<semaphore_mem>>)
    %dma_wait3A_553 = arith.constant 1 : i32
    %dma_wait3A_554 = arith.constant 1 : i32
    %dma_wait3A_555 = arith.constant 0 : i32
    %dma_wait3A_556 = arith.constant 0 : i32
    %dma_wait3A_557 = tpu.memref_slice %arg6[%dma_wait3A_553, %dma_wait3A_555, %dma_wait3A_556] : memref<3x640x64xf32, #tpu.memory_space<vmem>> -> memref<1x640x64xf32, #tpu.memory_space<vmem>>
    %dma_wait3A_558 = tpu.memref_squeeze %dma_wait3A_557 : memref<1x640x64xf32, #tpu.memory_space<vmem>> -> memref<640x64xf32, #tpu.memory_space<vmem>>
    %dma_wait3A_559 = arith.constant 0 : i32
    %dma_wait3A_560 = tpu.memref_slice %arg4[%add3A_445, %dma_wait3A_559] : memref<204800x64xf32, #tpu.memory_space<hbm>> -> memref<640x64xf32, #tpu.memory_space<hbm>>
    %dma_wait3A_561 = tpu.memref_slice %arg8[%dma_wait3A_554] : memref<3x!tpu.dma_semaphore, #tpu.memory_space<semaphore_mem>> -> memref<1x!tpu.dma_semaphore, #tpu.memory_space<semaphore_mem>>
    %dma_wait3A_562 = tpu.memref_squeeze %dma_wait3A_561 : memref<1x!tpu.dma_semaphore, #tpu.memory_space<semaphore_mem>> -> memref<!tpu.dma_semaphore, #tpu.memory_space<semaphore_mem>>
    %dma_wait3A_563 = arith.constant 0 : i32
    %dma_wait3A_564 = tpu.memref_slice %arg4[%add3A_445, %dma_wait3A_563] : memref<204800x64xf32, #tpu.memory_space<hbm>> -> memref<640x64xf32, #tpu.memory_space<hbm>>
    %dma_wait3A_565 = arith.constant 0 : i32
    %dma_wait3A_566 = arith.constant 0 : i32
    %dma_wait3A_567 = tpu.memref_slice %arg6[%dma_wait3A_553, %dma_wait3A_565, %dma_wait3A_566] : memref<3x640x64xf32, #tpu.memory_space<vmem>> -> memref<1x640x64xf32, #tpu.memory_space<vmem>>
    %dma_wait3A_568 = tpu.memref_squeeze %dma_wait3A_567 : memref<1x640x64xf32, #tpu.memory_space<vmem>> -> memref<640x64xf32, #tpu.memory_space<vmem>>
    tpu.wait_dma2 semaphore(%dma_wait3A_562 : memref<!tpu.dma_semaphore, #tpu.memory_space<semaphore_mem>>) src(%dma_wait3A_568 : memref<640x64xf32, #tpu.memory_space<vmem>>) dst(%dma_wait3A_564 : memref<640x64xf32, #tpu.memory_space<hbm>>)
    %dma_wait3A_569 = arith.constant 2 : i32
    %dma_wait3A_570 = arith.constant 2 : i32
    %dma_wait3A_571 = arith.constant 0 : i32
    %dma_wait3A_572 = arith.constant 0 : i32
    %dma_wait3A_573 = tpu.memref_slice %arg6[%dma_wait3A_569, %dma_wait3A_571, %dma_wait3A_572] : memref<3x640x64xf32, #tpu.memory_space<vmem>> -> memref<1x640x64xf32, #tpu.memory_space<vmem>>
    %dma_wait3A_574 = tpu.memref_squeeze %dma_wait3A_573 : memref<1x640x64xf32, #tpu.memory_space<vmem>> -> memref<640x64xf32, #tpu.memory_space<vmem>>
    %dma_wait3A_575 = arith.constant 0 : i32
    %dma_wait3A_576 = tpu.memref_slice %arg4[%add3A_505, %dma_wait3A_575] : memref<204800x64xf32, #tpu.memory_space<hbm>> -> memref<640x64xf32, #tpu.memory_space<hbm>>
    %dma_wait3A_577 = tpu.memref_slice %arg8[%dma_wait3A_570] : memref<3x!tpu.dma_semaphore, #tpu.memory_space<semaphore_mem>> -> memref<1x!tpu.dma_semaphore, #tpu.memory_space<semaphore_mem>>
    %dma_wait3A_578 = tpu.memref_squeeze %dma_wait3A_577 : memref<1x!tpu.dma_semaphore, #tpu.memory_space<semaphore_mem>> -> memref<!tpu.dma_semaphore, #tpu.memory_space<semaphore_mem>>
    %dma_wait3A_579 = arith.constant 0 : i32
    %dma_wait3A_580 = tpu.memref_slice %arg4[%add3A_505, %dma_wait3A_579] : memref<204800x64xf32, #tpu.memory_space<hbm>> -> memref<640x64xf32, #tpu.memory_space<hbm>>
    %dma_wait3A_581 = arith.constant 0 : i32
    %dma_wait3A_582 = arith.constant 0 : i32
    %dma_wait3A_583 = tpu.memref_slice %arg6[%dma_wait3A_569, %dma_wait3A_581, %dma_wait3A_582] : memref<3x640x64xf32, #tpu.memory_space<vmem>> -> memref<1x640x64xf32, #tpu.memory_space<vmem>>
    %dma_wait3A_584 = tpu.memref_squeeze %dma_wait3A_583 : memref<1x640x64xf32, #tpu.memory_space<vmem>> -> memref<640x64xf32, #tpu.memory_space<vmem>>
    tpu.wait_dma2 semaphore(%dma_wait3A_578 : memref<!tpu.dma_semaphore, #tpu.memory_space<semaphore_mem>>) src(%dma_wait3A_584 : memref<640x64xf32, #tpu.memory_space<vmem>>) dst(%dma_wait3A_580 : memref<640x64xf32, #tpu.memory_space<hbm>>)
    %dma_wait3A_585 = arith.constant 0 : i32
    %dma_wait3A_586 = arith.constant 0 : i32
    %dma_wait3A_587 = arith.constant 0 : i32
    %dma_wait3A_588 = arith.constant 0 : i32
    %dma_wait3A_589 = tpu.memref_slice %arg6[%dma_wait3A_585, %dma_wait3A_587, %dma_wait3A_588] : memref<3x640x64xf32, #tpu.memory_space<vmem>> -> memref<1x640x64xf32, #tpu.memory_space<vmem>>
    %dma_wait3A_590 = tpu.memref_squeeze %dma_wait3A_589 : memref<1x640x64xf32, #tpu.memory_space<vmem>> -> memref<640x64xf32, #tpu.memory_space<vmem>>
    %dma_wait3A_591 = arith.constant 0 : i32
    %dma_wait3A_592 = tpu.memref_slice %arg4[%add3A_536, %dma_wait3A_591] : memref<204800x64xf32, #tpu.memory_space<hbm>> -> memref<640x64xf32, #tpu.memory_space<hbm>>
    %dma_wait3A_593 = tpu.memref_slice %arg8[%dma_wait3A_586] : memref<3x!tpu.dma_semaphore, #tpu.memory_space<semaphore_mem>> -> memref<1x!tpu.dma_semaphore, #tpu.memory_space<semaphore_mem>>
    %dma_wait3A_594 = tpu.memref_squeeze %dma_wait3A_593 : memref<1x!tpu.dma_semaphore, #tpu.memory_space<semaphore_mem>> -> memref<!tpu.dma_semaphore, #tpu.memory_space<semaphore_mem>>
    %dma_wait3A_595 = arith.constant 0 : i32
    %dma_wait3A_596 = tpu.memref_slice %arg4[%add3A_536, %dma_wait3A_595] : memref<204800x64xf32, #tpu.memory_space<hbm>> -> memref<640x64xf32, #tpu.memory_space<hbm>>
    %dma_wait3A_597 = arith.constant 0 : i32
    %dma_wait3A_598 = arith.constant 0 : i32
    %dma_wait3A_599 = tpu.memref_slice %arg6[%dma_wait3A_585, %dma_wait3A_597, %dma_wait3A_598] : memref<3x640x64xf32, #tpu.memory_space<vmem>> -> memref<1x640x64xf32, #tpu.memory_space<vmem>>
    %dma_wait3A_600 = tpu.memref_squeeze %dma_wait3A_599 : memref<1x640x64xf32, #tpu.memory_space<vmem>> -> memref<640x64xf32, #tpu.memory_space<vmem>>
    tpu.wait_dma2 semaphore(%dma_wait3A_594 : memref<!tpu.dma_semaphore, #tpu.memory_space<semaphore_mem>>) src(%dma_wait3A_600 : memref<640x64xf32, #tpu.memory_space<vmem>>) dst(%dma_wait3A_596 : memref<640x64xf32, #tpu.memory_space<hbm>>)
    return
  }
}

</mosaic_0001>

<sc_bundles>
// kernel: _embed.3.cloned.1.call-start
scs
__scs_entry_jumppad:
0x0: {  	(pc) =	sbr.rel $0x88, $3  }
0x1: {  	(tag) =	ssettag $0x0;
	lr =	simm.s32 $0x1  }
0x2: {  	[smem:$0x3F9F] =	sst lr;
	_ =	strace $0xD0000000  }
0x3: {  	_ = 	snop  }
0x4: {  	_ = 	snop  }
0x5: {  	_ = 	snop  }
0x6: {  	_ = 	snop  }
0x7: {  	_ = 	snop  }
__scs_overlays_trampoline_lowered:
0x8: {  	[smem:$0x3FAE] =	sst s0  }
0x9: {  	[smem:$0x3FAF] =	sst s1  }
0xa: {  	[smem:$0x3FB0] =	sst s2  }
0xb: {  	[smem:$0x3FB1] =	sst s3  }
0xc: {  	[smem:$0x3FB2] =	sst s4  }
0xd: {  	[smem:$0x3FB3] =	sst s5  }
0xe: {  	[smem:$0x3FB4] =	sst s6  }
0xf: {  	[smem:$0x3FB5] =	sst s7  }
0x10: {  	[smem:$0x3FB6] =	sst s8  }
0x11: {  	[smem:$0x3FB7] =	sst s9;
	s0 =	simm.s32 @!p0 $0x0  }
0x12: {  	s1 =	sld [smem:$0x3F9D];
	s0 =	simm.s32 @p0 $0x1  }
0x13: {  	[smem:$0x3FB8] =	sst s0;
	s0 =	simm.s32 @!p1 $0x0  }
0x14: {  	s2 =	sld [smem:$0x3F9C];
	s0 =	simm.s32 @p1 $0x1  }
0x15: {  	[smem:$0x3FB9] =	sst s0;
	s0 =	simm.s32 @!p2 $0x0  }
0x16: {  	s3 =	sld [smem:$0x3FDB];
	s0 =	simm.s32 @p2 $0x1  }
0x17: {  	s4 =	simm.s32 $0x1BF5;
	[smem:$0x3FBB] =	sst s0  }
0x18: {  	s0 =	sld [smem:$0x3F9E];
	_ =	swait.ge [sflag:s4], $0x0  }
0x19: {  	s7 =	sld [smem:$0x3F9F]  }
0x1a: {  	s8 =	sadd.s32 $0xFFFFE003, lr  }
0x1b: {  	s9 =	sadd.s32 $0xFFFFFEF7, lr;
	s5 =	simm.s32 $0xFFFFFFFF;
	p2 =	slt.u32 s8, $0xFFFFF086  }
0x1c: {  	p1 =	slt.u32 s9, $0xF7A;
	s5 =	simm.s32 @!p2 $0x0  }
0x1d: {  	s5 =	simm.s32 @p1 $0x1;
	p0 =	seq.s32 s7, s2  }
0x1e: {  	s7 =	smul.u32 @!p0 $0xF7A, s2;
	p2 =	seq.s32 @!p0 s5, $0x0  }
0x1f: {  	s9 =	smul.u32 $0xF7A, s1;
	s8 =	simm.s32 @!p0 $0x1BF5;
	p2 =	por !p2, p0  }
0x20: {  	[sflag:s8] =	ssyncset.s32 @!p0 $0xFFFFF086;
	s6 =	sadd.s32 @!p0 s3, s7;
	s7 =	simm.s32 @!p0 $0x108  }
0x21: {  	s3 =	sadd.s32 s3, s9;
	s6 =	sadd.s32 @!p0 $0x88, s6;
	s7 =	simm.s32 @p2 $0x1082  }
0x22: {  	[simem:s7], [sflag:s8] =	dma.local @!p0 [hbm:s6], $0xF7A  }
0x23: {  	s9 =	sor.u32 $0xD0000000, s2;
	s6 =	simm.s32 $0x108;
	_ =	swait.ge @!p0 [sflag:s8], $0x0  }
0x24: {  	s3 =	sadd.s32 $0x88, s3;
	s6 =	simm.s32 @!p1 $0x1082;
	[sflag:s4] =	ssyncset.s32 $0xFFFFF086  }
0x25: {  	[simem:s6], [sflag:s4] =	dma.local [hbm:s3], $0xF7A  }
0x26: {  	[smem:$0x3F9F] =	sst s1;
	(tag) =	ssettag s2;
	_ =	strace s9  }
0x27: {  	s1 =	sld [smem:$0x3FAF]  }
0x28: {  	s2 =	sld [smem:$0x3FB0]  }
0x29: {  	s4 =	sld [smem:$0x3FB2]  }
0x2a: {  	p0 =	seq.s32 s5, $0x0;
	s5 =	sld [smem:$0x3FB3]  }
0x2b: {  	s6 =	sld [smem:$0x3FB4]  }
0x2c: {  	s7 =	sld [smem:$0x3FB5]  }
0x2d: {  	s3 =	simm.s32 $0x108;
	s8 =	sld [smem:$0x3FB6]  }
0x2e: {  	s3 =	simm.s32 @!p0 $0x1082;
	s9 =	sld [smem:$0x3FB7]  }
0x2f: {  	lr =	sadd.s32 s0, s3;
	s0 =	sld [smem:$0x3FAE]  }
0x30: {  	s3 =	sld [smem:$0x3FB1]  }
0x31: {  	[smem:$0x3FBA] =	sst s10  }
0x32: {  	s10 =	sld [smem:$0x3FB8];
	_ =	sdelay $0x3  }
0x33: {  	p0 =	seq.s32 s10, $0x1;
	s10 =	sld [smem:$0x3FBA];
	_ =	sdelay $0x3  }
0x34: {  	[smem:$0x3FBA] =	sst s10  }
0x35: {  	s10 =	sld [smem:$0x3FB9];
	_ =	sdelay $0x3  }
0x36: {  	p1 =	seq.s32 s10, $0x1;
	s10 =	sld [smem:$0x3FBA];
	_ =	sdelay $0x3  }
0x37: {  	[smem:$0x3FBA] =	sst s10  }
0x38: {  	s10 =	sld [smem:$0x3FBB]  }
0x39: {  	_ = 	snop;
	(pc) =	sbr.ind lr, $3  }
0x3a: {  	_ = 	snop  }
0x3b: {  	_ = 	snop  }
0x3c: {  	p2 =	seq.s32 s10, $0x1;
	s10 =	sld [smem:$0x3FBA]  }
0x3d: {  	_ =	shalt  }
0x3e: {  	_ =	shalt  }
0x3f: {  	_ =	shalt  }
0x40: {  	_ =	shalt  }
0x41: {  	_ =	shalt  }
0x42: {  	_ =	shalt  }
0x43: {  	_ =	shalt  }
0x44: {  	_ =	shalt  }
0x45: {  	_ =	shalt  }
0x46: {  	_ =	shalt  }
0x47: {  	_ =	shalt  }
0x48: {  	_ =	shalt  }
0x49: {  	_ =	shalt  }
0x4a: {  	_ =	shalt  }
0x4b: {  	_ =	shalt  }
0x4c: {  	_ =	shalt  }
0x4d: {  	_ =	shalt  }
0x4e: {  	_ =	shalt  }
0x4f: {  	_ =	shalt  }
0x50: {  	_ =	shalt  }
0x51: {  	_ =	shalt  }
0x52: {  	_ =	shalt  }
0x53: {  	_ =	shalt  }
0x54: {  	_ =	shalt  }
0x55: {  	_ =	shalt  }
0x56: {  	_ =	shalt  }
0x57: {  	_ =	shalt  }
0x58: {  	_ =	shalt  }
0x59: {  	_ =	shalt  }
0x5a: {  	_ =	shalt  }
0x5b: {  	_ =	shalt  }
0x5c: {  	_ =	shalt  }
0x5d: {  	_ =	shalt  }
0x5e: {  	_ =	shalt  }
0x5f: {  	_ =	shalt  }
0x60: {  	_ =	shalt  }
0x61: {  	_ =	shalt  }
0x62: {  	_ =	shalt  }
0x63: {  	_ =	shalt  }
0x64: {  	_ =	shalt  }
0x65: {  	_ =	shalt  }
0x66: {  	_ =	shalt  }
0x67: {  	_ =	shalt  }
0x68: {  	_ =	shalt  }
0x69: {  	_ =	shalt  }
0x6a: {  	_ =	shalt  }
0x6b: {  	_ =	shalt  }
0x6c: {  	_ =	shalt  }
0x6d: {  	_ =	shalt  }
0x6e: {  	_ =	shalt  }
0x6f: {  	_ =	shalt  }
0x70: {  	_ =	shalt  }
0x71: {  	_ =	shalt  }
0x72: {  	_ =	shalt  }
0x73: {  	_ =	shalt  }
0x74: {  	_ =	shalt  }
0x75: {  	_ =	shalt  }
0x76: {  	_ =	shalt  }
0x77: {  	_ =	shalt  }
0x78: {  	_ =	shalt  }
0x79: {  	_ =	shalt  }
0x7a: {  	_ =	shalt  }
0x7b: {  	_ =	shalt  }
0x7c: {  	_ =	shalt  }
0x7d: {  	_ =	shalt  }
0x7e: {  	_ =	shalt  }
0x7f: {  	_ =	shalt  }
0x80: {  	_ =	shalt  }
0x81: {  	_ =	shalt  }
0x82: {  	_ =	shalt  }
0x83: {  	_ =	shalt  }
0x84: {  	_ =	shalt  }
0x85: {  	_ =	shalt  }
0x86: {  	_ =	shalt  }
0x87: {  	_ =	shalt  }
.Lfunc_end0:
.L_simem_size_0:
called_computation.1_lowered:
.L_overlay_start_0:
0x88: {  	s2 =	sld [smem:$0x3FD9]  }
0x89: {  	s3 =	sld [smem:$0x3FFE];
	_ =	sdelay $0x1  }
0x8a: {  	s1 =	srdreg.scid  }
0x8b: {  	s0 =	sand.u32 $0x1, s1  }
0x8c: {  	s17 =	sshll.u32 s0, $0xA;
	s2 =	sadd.s32 s3, s2  }
0x8d: {  	s2 =	sadd.s32 s2, s17  }
0x8e: {  	[smem:$0x3FC6] =	sst s2  }
0x8f: {  	_ = 	snop  }
0x90: {  	s2 =	sld [smem:$0x3FC9]  }
0x91: {  	s18 =	sld [smem:$0x3FD0];
	(tm) =	ssettm $0x1  }
0x92: {  	s4 =	sld [smem:$0x3FFB];
	_ =	sdelay $0x3  }
0x93: {  	_ =	strace s4  }
0x94: {  	s4 =	sld [smem:$0x3FFC];
	_ =	sdelay $0x3  }
0x95: {  	_ =	strace s4  }
0x96: {  	s4 =	sld [smem:$0x3FFD];
	_ =	sdelay $0x3  }
0x97: {  	_ =	strace s4  }
0x98: {  	_ =	strace $0x8FFFFFFF  }
0x99: {  	s19 =	sld [smem:$0x3FDB];
	_ =	sdelay $0x1  }
0x9a: {  	s5 =	simm.s32 $_scs_section_size  }
0x9b: {  	s6 =	simm.s32 $_size__tile_overlayer_lowered;
	s7 =	simm.s32 $_tile_overlayer_lowered  }
0x9c: {  	s22 =	simm.s32 $0x1BFF;
	s21 =	sshll.u32 s7, $0x1;
	s4 =	sadd.s32 s5, s19  }
0x9d: {  	s8 =	simm.s32 $0x0;
	s20 =	sshll.u32 s6, $0x1;
	s6 =	sadd.s32 s21, s4  }
0x9e: {  	[timem:s8], [sflag:s22] =	dma.local [hbm:s6], s20  }
0x9f: {  	_ =	swait.ge [sflag:s22], s20  }
0xa0: {  	s5 =	ssub.s32 $0x0, s20;
	[sflag:s22] =	ssyncset.done $0x0  }
0xa1: {  	[sflag:s22] =	ssyncadd.s32 s5;
	_ =	sdelay $0x1  }
0xa2: {  	s23 =	simm.s32 $0x1B8B  }
0xa3: {  	_ =	swait.ge [sflag:s23], $0x1  }
0xa4: {  	[sflag:s23] =	ssyncset.done $0x0  }
0xa5: {  	s25 =	simm.s32 $0x1B8E;
	s24 =	sld [smem:$0x3FFE];
	[sflag:s23] =	ssyncadd.s32 $0xFFFFFFFF  }
0xa6: {  	s26 =	simm.s32 $execute0_lowered;
	[smem:$0x3FD2] =	sst s25  }
0xa7: {  	s6 =	sshll.u32 s26, $0x1;
	_ =	strace $0x80000046;
	[dreg:$0x1] =	wrdreg $0xFFFFFFFF  }
0xa8: {  	s28 =	simm.s32 $_size_execute0_lowered;
	s4 =	sadd.s32 s4, s6;
	[dreg:$0x0] =	wrdreg $0x0  }
0xa9: {  	s6 =	sshll.u32 s28, $0x1;
	[dreg:$0x2] =	wrdreg s4  }
0xaa: {  	[dreg:$0x3] =	wrdreg s6  }
0xab: {  	[dreg:$0x4] =	wrdreg $0xC0  }
0xac: {  	_ =	task [dreg:s8], $0x5FFFF  }
0xad: {  	[dreg:$0x1] =	wrdreg $0xFFFFFFFF  }
0xae: {  	[dreg:$0x0] =	wrdreg $0x60  }
0xaf: {  	[dreg:$0x2] =	wrdreg s2  }
0xb0: {  	[dreg:$0x3] =	wrdreg s24  }
0xb1: {  	[dreg:$0x4] =	wrdreg s18  }
0xb2: {  	[dreg:$0x5] =	wrdreg $0x9  }
0xb3: {  	_ =	task.clear_ibuf [dreg:s8], $0x6FFFF;
	_ =	strace $0x90000046  }
0xb4: {  	s29 =	simm.s32 $0x9;
	_ =	strace $0x80000048  }
0xb5: {  	_ =	swait.ge [sflag:s29], $0x1  }
0xb6: {  	[sflag:s29] =	ssyncadd.s32 $0xFFFFFFFF  }
0xb7: {  	_ =	strace $0x90000048  }
0xb8: {  	_ =	sfence  }
0xb9: {  	s30 =	sld [smem:$0x0];
	_ =	sdelay $0x2  }
0xba: {  	s31 =	sshll.u32 s1, $0xD;
	s1 =	sshrl.u32 s1, $0x2  }
0xbb: {  	s3 =	sand.u32 $0x4000, s31;
	s1 =	sadd.s32 s1, s30  }
0xbc: {  	s0 =	sor.u32 s3, s0;
	s1 =	sshll.u32 s1, $0x11  }
0xbd: {  	s0 =	sor.u32 s1, s0  }
0xbe: {  	s0 =	sadd.s32 $0x8F2B, s0  }
0xbf: {  	[sflag:s0] =	ssyncadd.remote.s32 $0x1  }
0xc0: {  	_ =	sfence.sel $0xFFFF  }
0xc1: {  	[dreg:$0x0] =	wrdreg $0xFFFFFFFF;
	(pc) =	sbr.abs _section_cstart, $3  }
0xc2: {  	[dreg:$0x1] =	wrdreg $0xFFFFFFFF  }
0xc3: {  	_ =	task.clear_ibuf [dreg:s8], $0x2FFFF;
	_ =	strace $0x9FFFFFFF  }
0xc4: {  	(tm) =	ssettm $0x7FFFFFFF  }
0xc5: {  	_ =	shalt  }
tec
execute0_lowered:
.L_overlay_start_1:
0x0: {  	(tag) =	ssettag $0x1  }
0x1: {  	s1 =	srdreg.scid;
	s0 =	stileid.u32  }
0x2: {  	s1 =	sand.u32 $0x1, s1;
	s2 =	sshll.u32 s0, $0x1  }
0x3: {  	s6 =	sor.u32 s1, s2  }
0x4: {  	s3 =	rddreg [dreg:$0x0];
	s7 =	smul.u32 $0x320, s6  }
0x5: {  	s4 =	rddreg [dreg:$0x1];
	s2 =	simm.s32 $0x0;
	s8 =	smul.u32 $0x64000, s6  }
0x6: {  	[smem:$0x7FF] =	sst s2;
	s6 =	smul.u32 $0xC800, s6  }
0x7: {  	s5 =	rddreg [dreg:$0x2];
	_ =	strace $0x80000047;
	s3 =	sadd.s32 s3, s7  }
0x8: {  	s25 =	sshrl.u32 s8, $0x3;
	s6 =	sadd.s32 s5, s6;
	[dreg:$0x4] =	wrdreg s3  }
0x9: {  	s31 =	sadd.s32 s5, s25;
	[dreg:$0x5] =	wrdreg s6  }
0xa: {  	s26 =	rddreg [dreg:$0x4];
	s3 =	sadd.s32 $0x1400, s31  }
0xb: {  	[dreg:$0x6] =	wrdreg s3;
	s3 =	simm.s32 $0x7  }
0xc: {  	[tilespmem:s2], [sflag:$0x7] =	stream.linear.gather [hbm4b:s26+s2], $0x1900, $0x38;
	[tilespmem:$0x1F900] =	vst v63  }
0xd: {  	_ =	swait.ge [sflag:s3], $0x1900  }
0xe: {  	s4 =	sadd.s32 $0x800, s4;
	[sflag:s3] =	ssyncset.done $0x0  }
0xf: {  	s5 =	simm.s32 $0x280;
	s6 =	simm.s32 $0x1900;
	[sflag:s3] =	ssyncadd.s32 $0xFFFFE700  }
0x10: {  	[tilespmem:s6], [sflag:$0x1] =	stream.indirect.gather [hbm4b:s4+s5], $0x40, s2, s5, $0xb8;
	[tilespmem:$0x1F900] =	vst v63  }
0x11: {  	s7 =	simm.s32 $0xB900;
	s8 =	simm.s32 $0x1  }
0x12: {  	[tilespmem:s7], [sflag:$0x2] =	stream.indirect.gather [hbm4b:s4+s5], $0x40, s5, s5, $0xb8;
	[tilespmem:$0x1F900] =	vst v63  }
0x13: {  	_ =	swait.ge [sflag:s8], $0xA000  }
0x14: {  	[sflag:s8] =	ssyncset.done $0x0  }
0x15: {  	s9 =	rddreg [dreg:$0x5];
	[sflag:s8] =	ssyncadd.s32 $0xFFFF6000  }
0x16: {  	[hbm4b:s9+s2] =	stream.linear.scatter [tilespmem:s6], [sflag:$0x4], $0xA000, $0x38;
	[tilespmem:$0x1F900] =	vst v63  }
0x17: {  	s10 =	simm.s32 $0x15900;
	s11 =	simm.s32 $0x2;
	s9 =	simm.s32 $0x500  }
0x18: {  	[tilespmem:s10], [sflag:$0x3] =	stream.indirect.gather [hbm4b:s4+s5], $0x40, s9, s5, $0xb8;
	[tilespmem:$0x1F900] =	vst v63  }
0x19: {  	_ =	swait.ge [sflag:s11], $0xA000  }
0x1a: {  	[sflag:s11] =	ssyncset.done $0x0  }
0x1b: {  	s12 =	simm.s32 $0x4;
	s13 =	rddreg [dreg:$0x6];
	[sflag:s11] =	ssyncadd.s32 $0xFFFF6000  }
0x1c: {  	[hbm4b:s13+s2] =	stream.linear.scatter [tilespmem:s7], [sflag:$0x5], $0xA000, $0x38;
	[tilespmem:$0x1F900] =	vst v63  }
0x1d: {  	_ =	swait.ge [sflag:s12], $0xA000  }
0x1e: {  	[sflag:s12] =	ssyncset.done $0x0  }
0x1f: {  	s14 =	simm.s32 $0x3;
	s13 =	simm.s32 $0x780;
	[sflag:s12] =	ssyncadd.s32 $0xFFFF6000  }
0x20: {  	[tilespmem:s6], [sflag:$0x1] =	stream.indirect.gather [hbm4b:s4+s5], $0x40, s13, s5, $0xb8;
	[tilespmem:$0x1F900] =	vst v63  }
0x21: {  	_ =	swait.ge [sflag:s14], $0xA000  }
0x22: {  	[sflag:s14] =	ssyncset.done $0x0  }
0x23: {  	s16 =	simm.s32 $0x5;
	s15 =	sadd.s32 $0x2800, s31;
	[sflag:s14] =	ssyncadd.s32 $0xFFFF6000  }
0x24: {  	[hbm4b:s15+s2] =	stream.linear.scatter [tilespmem:s10], [sflag:$0x6], $0xA000, $0x38;
	[tilespmem:$0x1F900] =	vst v63  }
0x25: {  	_ =	swait.ge [sflag:s16], $0xA000  }
0x26: {  	[sflag:s16] =	ssyncset.done $0x0  }
0x27: {  	s17 =	simm.s32 $0xA00;
	[sflag:s16] =	ssyncadd.s32 $0xFFFF6000  }
0x28: {  	[tilespmem:s7], [sflag:$0x2] =	stream.indirect.gather [hbm4b:s4+s5], $0x40, s17, s5, $0xb8;
	[tilespmem:$0x1F900] =	vst v63  }
0x29: {  	_ =	swait.ge [sflag:s8], $0xA000  }
0x2a: {  	[sflag:s8] =	ssyncset.done $0x0  }
0x2b: {  	s19 =	simm.s32 $0x6;
	s18 =	sadd.s32 $0x3C00, s31;
	[sflag:s8] =	ssyncadd.s32 $0xFFFF6000  }
0x2c: {  	[hbm4b:s18+s2] =	stream.linear.scatter [tilespmem:s6], [sflag:$0x4], $0xA000, $0x38;
	[tilespmem:$0x1F900] =	vst v63  }
0x2d: {  	_ =	swait.ge [sflag:s19], $0xA000  }
0x2e: {  	[sflag:s19] =	ssyncset.done $0x0  }
0x2f: {  	s20 =	simm.s32 $0xC80;
	[sflag:s19] =	ssyncadd.s32 $0xFFFF6000  }
0x30: {  	[tilespmem:s10], [sflag:$0x3] =	stream.indirect.gather [hbm4b:s4+s5], $0x40, s20, s5, $0xb8;
	[tilespmem:$0x1F900] =	vst v63  }
0x31: {  	_ =	swait.ge [sflag:s11], $0xA000  }
0x32: {  	[sflag:s11] =	ssyncset.done $0x0  }
0x33: {  	s21 =	sadd.s32 $0x5000, s31;
	[sflag:s11] =	ssyncadd.s32 $0xFFFF6000  }
0x34: {  	[hbm4b:s21+s2] =	stream.linear.scatter [tilespmem:s7], [sflag:$0x5], $0xA000, $0x38;
	[tilespmem:$0x1F900] =	vst v63  }
0x35: {  	_ =	swait.ge [sflag:s12], $0xA000  }
0x36: {  	[sflag:s12] =	ssyncset.done $0x0  }
0x37: {  	s22 =	simm.s32 $0xF00;
	[sflag:s12] =	ssyncadd.s32 $0xFFFF6000  }
0x38: {  	[tilespmem:s6], [sflag:$0x1] =	stream.indirect.gather [hbm4b:s4+s5], $0x40, s22, s5, $0xb8;
	[tilespmem:$0x1F900] =	vst v63  }
0x39: {  	_ =	swait.ge [sflag:s14], $0xA000  }
0x3a: {  	[sflag:s14] =	ssyncset.done $0x0  }
0x3b: {  	s23 =	sadd.s32 $0x6400, s31;
	[sflag:s14] =	ssyncadd.s32 $0xFFFF6000  }
0x3c: {  	[hbm4b:s23+s2] =	stream.linear.scatter [tilespmem:s10], [sflag:$0x6], $0xA000, $0x38;
	[tilespmem:$0x1F900] =	vst v63  }
0x3d: {  	_ =	swait.ge [sflag:s16], $0xA000  }
0x3e: {  	[sflag:s16] =	ssyncset.done $0x0  }
0x3f: {  	s24 =	simm.s32 $0x1180;
	[sflag:s16] =	ssyncadd.s32 $0xFFFF6000  }
0x40: {  	[tilespmem:s7], [sflag:$0x2] =	stream.indirect.gather [hbm4b:s4+s5], $0x40, s24, s5, $0xb8;
	[tilespmem:$0x1F900] =	vst v63  }
0x41: {  	_ =	swait.ge [sflag:s8], $0xA000  }
0x42: {  	[sflag:s8] =	ssyncset.done $0x0  }
0x43: {  	s25 =	sadd.s32 $0x7800, s31;
	[sflag:s8] =	ssyncadd.s32 $0xFFFF6000  }
0x44: {  	[hbm4b:s25+s2] =	stream.linear.scatter [tilespmem:s6], [sflag:$0x4], $0xA000, $0x38;
	[tilespmem:$0x1F900] =	vst v63  }
0x45: {  	_ =	swait.ge [sflag:s19], $0xA000  }
0x46: {  	[sflag:s19] =	ssyncset.done $0x0  }
0x47: {  	s26 =	simm.s32 $0x1400;
	[sflag:s19] =	ssyncadd.s32 $0xFFFF6000  }
0x48: {  	[tilespmem:s10], [sflag:$0x3] =	stream.indirect.gather [hbm4b:s4+s5], $0x40, s26, s5, $0xb8;
	[tilespmem:$0x1F900] =	vst v63  }
0x49: {  	_ =	swait.ge [sflag:s11], $0xA000  }
0x4a: {  	[sflag:s11] =	ssyncset.done $0x0  }
0x4b: {  	s28 =	sadd.s32 $0x8C00, s31;
	[sflag:s11] =	ssyncadd.s32 $0xFFFF6000  }
0x4c: {  	[hbm4b:s28+s2] =	stream.linear.scatter [tilespmem:s7], [sflag:$0x5], $0xA000, $0x38;
	[tilespmem:$0x1F900] =	vst v63  }
0x4d: {  	_ =	swait.ge [sflag:s12], $0xA000  }
0x4e: {  	[sflag:s12] =	ssyncset.done $0x0  }
0x4f: {  	s29 =	simm.s32 $0x1680;
	[sflag:s12] =	ssyncadd.s32 $0xFFFF6000  }
0x50: {  	[tilespmem:s6], [sflag:$0x1] =	stream.indirect.gather [hbm4b:s4+s5], $0x40, s29, s5, $0xb8;
	[tilespmem:$0x1F900] =	vst v63  }
0x51: {  	_ =	swait.ge [sflag:s14], $0xA000  }
0x52: {  	[sflag:s14] =	ssyncset.done $0x0  }
0x53: {  	s30 =	sadd.s32 $0xA000, s31;
	[sflag:s14] =	ssyncadd.s32 $0xFFFF6000  }
0x54: {  	[hbm4b:s30+s2] =	stream.linear.scatter [tilespmem:s10], [sflag:$0x6], $0xA000, $0x38;
	[tilespmem:$0x1F900] =	vst v63  }
0x55: {  	s1 =	ssub.s32 $0x2, s1;
	_ =	swait.ge [sflag:s8], $0xA000  }
0x56: {  	s0 =	sshrl.u32 s1, $0x1;
	[sflag:s8] =	ssyncset.done $0x0  }
0x57: {  	s0 =	ssub.s32 s1, s0;
	s31 =	sadd.s32 $0xB400, s31;
	[sflag:s8] =	ssyncadd.s32 $0xFFFF6000  }
0x58: {  	[hbm4b:s31+s2] =	stream.linear.scatter [tilespmem:s6], [sflag:$0x4], $0xA000, $0x38;
	[tilespmem:$0x1F900] =	vst v63  }
0x59: {  	s0 =	smax.u32 s0, $0x1;
	_ =	swait.ge [sflag:s16], $0xA000  }
0x5a: {  	p0 =	sne.s32 s0, $0x1;
	[sflag:s16] =	ssyncset.done $0x0  }
.Ltmp0:
0x5b: {  	[sflag:s16] =	ssyncadd.s32 $0xFFFF6000;
	(pc) =	sbr.rel @!p0 .LBB2_2-.Ltmp0, $4  }
0x5c: {  	_ =	swait.ge [sflag:s19], $0xA000  }
0x5d: {  	[sflag:s19] =	ssyncset.done $0x0  }
0x5e: {  	[sflag:s19] =	ssyncadd.s32 $0xFFFF6000  }
0x5f: {  	s1 =	sadd.s32 $0xFFFFFFFF, s0;
	_ =	swait.ge [sflag:s12], $0xA000  }
.LBB2_1:
0x60: {  	[sflag:s12] =	ssyncset.done $0x0  }
0x61: {  	s0 =	rddreg [dreg:$0x4];
	[sflag:s12] =	ssyncadd.s32 $0xFFFF6000  }
0x62: {  	[tilespmem:s2], [sflag:$0x7] =	stream.linear.gather [hbm4b:s0+s2], $0x1900, $0x38;
	[tilespmem:$0x1F900] =	vst v63  }
0x63: {  	_ =	swait.ge [sflag:s3], $0x1900  }
0x64: {  	[sflag:s3] =	ssyncset.done $0x0  }
0x65: {  	[sflag:s3] =	ssyncadd.s32 $0xFFFFE700  }
0x66: {  	[tilespmem:s6], [sflag:$0x1] =	stream.indirect.gather [hbm4b:s4+s5], $0x40, s2, s5, $0xb8;
	[tilespmem:$0x1F900] =	vst v63  }
0x67: {  	_ = 	snop  }
0x68: {  	[tilespmem:s7], [sflag:$0x2] =	stream.indirect.gather [hbm4b:s4+s5], $0x40, s5, s5, $0xb8;
	[tilespmem:$0x1F900] =	vst v63  }
0x69: {  	_ =	swait.ge [sflag:s8], $0xA000  }
0x6a: {  	[sflag:s8] =	ssyncset.done $0x0  }
0x6b: {  	s0 =	rddreg [dreg:$0x5];
	[sflag:s8] =	ssyncadd.s32 $0xFFFF6000  }
0x6c: {  	[hbm4b:s0+s2] =	stream.linear.scatter [tilespmem:s6], [sflag:$0x4], $0xA000, $0x38;
	[tilespmem:$0x1F900] =	vst v63  }
0x6d: {  	_ = 	snop  }
0x6e: {  	[tilespmem:s10], [sflag:$0x3] =	stream.indirect.gather [hbm4b:s4+s5], $0x40, s9, s5, $0xb8;
	[tilespmem:$0x1F900] =	vst v63  }
0x6f: {  	_ =	swait.ge [sflag:s11], $0xA000  }
0x70: {  	[sflag:s11] =	ssyncset.done $0x0  }
0x71: {  	s0 =	rddreg [dreg:$0x6];
	[sflag:s11] =	ssyncadd.s32 $0xFFFF6000  }
0x72: {  	[hbm4b:s0+s2] =	stream.linear.scatter [tilespmem:s7], [sflag:$0x5], $0xA000, $0x38;
	[tilespmem:$0x1F900] =	vst v63  }
0x73: {  	_ =	swait.ge [sflag:s12], $0xA000  }
0x74: {  	[sflag:s12] =	ssyncset.done $0x0  }
0x75: {  	[sflag:s12] =	ssyncadd.s32 $0xFFFF6000  }
0x76: {  	[tilespmem:s6], [sflag:$0x1] =	stream.indirect.gather [hbm4b:s4+s5], $0x40, s13, s5, $0xb8;
	[tilespmem:$0x1F900] =	vst v63  }
0x77: {  	_ =	swait.ge [sflag:s14], $0xA000  }
0x78: {  	[sflag:s14] =	ssyncset.done $0x0  }
0x79: {  	[sflag:s14] =	ssyncadd.s32 $0xFFFF6000  }
0x7a: {  	[hbm4b:s15+s2] =	stream.linear.scatter [tilespmem:s10], [sflag:$0x6], $0xA000, $0x38;
	[tilespmem:$0x1F900] =	vst v63  }
0x7b: {  	_ =	swait.ge [sflag:s16], $0xA000  }
0x7c: {  	[sflag:s16] =	ssyncset.done $0x0  }
0x7d: {  	[sflag:s16] =	ssyncadd.s32 $0xFFFF6000  }
0x7e: {  	[tilespmem:s7], [sflag:$0x2] =	stream.indirect.gather [hbm4b:s4+s5], $0x40, s17, s5, $0xb8;
	[tilespmem:$0x1F900] =	vst v63  }
0x7f: {  	_ =	swait.ge [sflag:s8], $0xA000  }
0x80: {  	[sflag:s8] =	ssyncset.done $0x0  }
0x81: {  	[sflag:s8] =	ssyncadd.s32 $0xFFFF6000  }
0x82: {  	[hbm4b:s18+s2] =	stream.linear.scatter [tilespmem:s6], [sflag:$0x4], $0xA000, $0x38;
	[tilespmem:$0x1F900] =	vst v63  }
0x83: {  	_ =	swait.ge [sflag:s19], $0xA000  }
0x84: {  	[sflag:s19] =	ssyncset.done $0x0  }
0x85: {  	[sflag:s19] =	ssyncadd.s32 $0xFFFF6000  }
0x86: {  	[tilespmem:s10], [sflag:$0x3] =	stream.indirect.gather [hbm4b:s4+s5], $0x40, s20, s5, $0xb8;
	[tilespmem:$0x1F900] =	vst v63  }
0x87: {  	_ =	swait.ge [sflag:s11], $0xA000  }
0x88: {  	[sflag:s11] =	ssyncset.done $0x0  }
0x89: {  	[sflag:s11] =	ssyncadd.s32 $0xFFFF6000  }
0x8a: {  	[hbm4b:s21+s2] =	stream.linear.scatter [tilespmem:s7], [sflag:$0x5], $0xA000, $0x38;
	[tilespmem:$0x1F900] =	vst v63  }
0x8b: {  	_ =	swait.ge [sflag:s12], $0xA000  }
0x8c: {  	[sflag:s12] =	ssyncset.done $0x0  }
0x8d: {  	[sflag:s12] =	ssyncadd.s32 $0xFFFF6000  }
0x8e: {  	[tilespmem:s6], [sflag:$0x1] =	stream.indirect.gather [hbm4b:s4+s5], $0x40, s22, s5, $0xb8;
	[tilespmem:$0x1F900] =	vst v63  }
0x8f: {  	_ =	swait.ge [sflag:s14], $0xA000  }
0x90: {  	[sflag:s14] =	ssyncset.done $0x0  }
0x91: {  	[sflag:s14] =	ssyncadd.s32 $0xFFFF6000  }
0x92: {  	[hbm4b:s23+s2] =	stream.linear.scatter [tilespmem:s10], [sflag:$0x6], $0xA000, $0x38;
	[tilespmem:$0x1F900] =	vst v63  }
0x93: {  	_ =	swait.ge [sflag:s16], $0xA000  }
0x94: {  	[sflag:s16] =	ssyncset.done $0x0  }
0x95: {  	[sflag:s16] =	ssyncadd.s32 $0xFFFF6000  }
0x96: {  	[tilespmem:s7], [sflag:$0x2] =	stream.indirect.gather [hbm4b:s4+s5], $0x40, s24, s5, $0xb8;
	[tilespmem:$0x1F900] =	vst v63  }
0x97: {  	_ =	swait.ge [sflag:s8], $0xA000  }
0x98: {  	[sflag:s8] =	ssyncset.done $0x0  }
0x99: {  	[sflag:s8] =	ssyncadd.s32 $0xFFFF6000  }
0x9a: {  	[hbm4b:s25+s2] =	stream.linear.scatter [tilespmem:s6], [sflag:$0x4], $0xA000, $0x38;
	[tilespmem:$0x1F900] =	vst v63  }
0x9b: {  	_ =	swait.ge [sflag:s19], $0xA000  }
0x9c: {  	[sflag:s19] =	ssyncset.done $0x0  }
0x9d: {  	[sflag:s19] =	ssyncadd.s32 $0xFFFF6000  }
0x9e: {  	[tilespmem:s10], [sflag:$0x3] =	stream.indirect.gather [hbm4b:s4+s5], $0x40, s26, s5, $0xb8;
	[tilespmem:$0x1F900] =	vst v63  }
0x9f: {  	_ =	swait.ge [sflag:s11], $0xA000  }
0xa0: {  	[sflag:s11] =	ssyncset.done $0x0  }
0xa1: {  	[sflag:s11] =	ssyncadd.s32 $0xFFFF6000  }
0xa2: {  	[hbm4b:s28+s2] =	stream.linear.scatter [tilespmem:s7], [sflag:$0x5], $0xA000, $0x38;
	[tilespmem:$0x1F900] =	vst v63  }
0xa3: {  	_ =	swait.ge [sflag:s12], $0xA000  }
0xa4: {  	[sflag:s12] =	ssyncset.done $0x0  }
0xa5: {  	[sflag:s12] =	ssyncadd.s32 $0xFFFF6000  }
0xa6: {  	[tilespmem:s6], [sflag:$0x1] =	stream.indirect.gather [hbm4b:s4+s5], $0x40, s29, s5, $0xb8;
	[tilespmem:$0x1F900] =	vst v63  }
0xa7: {  	_ =	swait.ge [sflag:s14], $0xA000  }
0xa8: {  	[sflag:s14] =	ssyncset.done $0x0  }
0xa9: {  	[sflag:s14] =	ssyncadd.s32 $0xFFFF6000  }
0xaa: {  	[hbm4b:s30+s2] =	stream.linear.scatter [tilespmem:s10], [sflag:$0x6], $0xA000, $0x38;
	[tilespmem:$0x1F900] =	vst v63  }
0xab: {  	_ =	swait.ge [sflag:s8], $0xA000  }
0xac: {  	[sflag:s8] =	ssyncset.done $0x0  }
0xad: {  	[sflag:s8] =	ssyncadd.s32 $0xFFFF6000  }
0xae: {  	[hbm4b:s31+s2] =	stream.linear.scatter [tilespmem:s6], [sflag:$0x4], $0xA000, $0x38;
	[tilespmem:$0x1F900] =	vst v63  }
0xaf: {  	_ =	swait.ge [sflag:s16], $0xA000  }
0xb0: {  	p0 =	sne.s32 s1, $0x1;
	[sflag:s16] =	ssyncset.done $0x0  }
.Ltmp1:
0xb1: {  	[sflag:s16] =	ssyncadd.s32 $0xFFFF6000;
	(pc) =	sbr.rel @p0 .LBB2_1-.Ltmp1, $4  }
0xb2: {  	_ =	swait.ge [sflag:s19], $0xA000  }
0xb3: {  	[sflag:s19] =	ssyncset.done $0x0  }
0xb4: {  	[sflag:s19] =	ssyncadd.s32 $0xFFFF6000  }
0xb5: {  	s1 =	sadd.s32 $0xFFFFFFFF, s1;
	_ =	swait.ge [sflag:s12], $0xA000  }
.LBB2_2:
0xb6: {  	[sflag:s12] =	ssyncset.done $0x0  }
0xb7: {  	[sflag:s12] =	ssyncadd.s32 $0xFFFF6000  }
0xb8: {  	_ =	sfence.sel $0x180000  }
0xb9: {  	[bflag:$0x0] =	sbarrier.arrive $0xFFFF  }
0xba: {  	_ =	strace $0x90000047  }
0xbb: {  	s0 =	stileid.u32;
	[bflag:$0x2] =	sbarrier.arrive $0xFFFF  }
0xbc: {  	p0 =	sne.s32 s0, $0x0;
	s0 =	rddreg [dreg:$0x3]  }
0xbd: {  	s0 =	sadd.s32 @!p0 $0x100000, s0  }
0xbe: {  	[sflag:s0] =	ssyncadd.tile.s32 @!p0 $0x1;
	_ =	shalt  }
.Lfunc_end2:
_tile_overlayer_lowered:
.L_overlay_start_2:
0xbf: {  	(tag) =	ssettag $0x2  }
0xc0: {  	s0 =	rddreg [dreg:$0x0];
	s2 =	stileid.u32  }
0xc1: {  	s1 =	rddreg [dreg:$0x1];
	p0 =	sne.s32 s2, $0x0  }
0xc2: {  	s3 =	rddreg [dreg:$0x2];
	[bflag:$0x3] =	sbarrier.arrive $0xFFFF;
	s2 =	simm.s32 @!p0 $0x1C07  }
0xc3: {  	[timem:s3], [sflag:s2] =	dma.local @!p0 [hbm:s0], s1  }
0xc4: {  	s0 =	simm.s32 @!p0 $0x7  }
0xc5: {  	_ =	swait.ge @!p0 [sflag:s0], s1  }
0xc6: {  	s1 =	ssub.s32 @!p0 $0x0, s1;
	[sflag:s0] =	ssyncset.done @!p0 $0x0  }
0xc7: {  	[sflag:s0] =	ssyncadd.s32 @!p0 s1  }
0xc8: {  	[bflag:$0x3] =	sbarrier.arrive $0xFFFF  }
0xc9: {  	_ =	shalt  }

// kernel: sparse-core-data-format-call.cloned.1.call-start
scs
called_computation_lowered:
.L_overlay_start_0:
0x0: {  	s2 =	sld [smem:$0x3FD9]  }
0x1: {  	s3 =	sld [smem:$0x3FFE];
	_ =	sdelay $0x1  }
0x2: {  	s1 =	srdreg.scid  }
0x3: {  	s0 =	sand.u32 $0x1, s1  }
0x4: {  	s18 =	sshll.u32 s0, $0xA;
	s2 =	sadd.s32 s3, s2  }
0x5: {  	s2 =	sadd.s32 s2, s18  }
0x6: {  	[smem:$0x3FC6] =	sst s2  }
0x7: {  	_ = 	snop  }
0x8: {  	s2 =	sld [smem:$0x3FD0];
	(tm) =	ssettm $0x1  }
0x9: {  	s19 =	sld [smem:$0x3FFB];
	_ =	sdelay $0x3  }
0xa: {  	_ =	strace s19  }
0xb: {  	s3 =	sld [smem:$0x3FFC];
	_ =	sdelay $0x3  }
0xc: {  	_ =	strace s3  }
0xd: {  	s3 =	sld [smem:$0x3FFD];
	_ =	sdelay $0x3  }
0xe: {  	_ =	strace s3  }
0xf: {  	_ =	strace $0x8FFFFFFF  }
0x10: {  	s20 =	sld [smem:$0x3FDB];
	_ =	sdelay $0x1  }
0x11: {  	s4 =	simm.s32 $_scs_section_size  }
0x12: {  	s5 =	simm.s32 $_size__tile_overlayer_lowered;
	s6 =	simm.s32 $_tile_overlayer_lowered  }
0x13: {  	s23 =	simm.s32 $0x1BFF;
	s22 =	sshll.u32 s6, $0x1;
	s3 =	sadd.s32 s4, s20  }
0x14: {  	s7 =	simm.s32 $0x0;
	s21 =	sshll.u32 s5, $0x1;
	s5 =	sadd.s32 s22, s3  }
0x15: {  	[timem:s7], [sflag:s23] =	dma.local [hbm:s5], s21  }
0x16: {  	_ =	swait.ge [sflag:s23], s21  }
0x17: {  	s4 =	ssub.s32 $0x0, s21;
	[sflag:s23] =	ssyncset.done $0x0  }
0x18: {  	[sflag:s23] =	ssyncadd.s32 s4;
	_ =	sdelay $0x1  }
0x19: {  	s24 =	simm.s32 $0x1B8B  }
0x1a: {  	_ =	swait.ge [sflag:s24], $0x1  }
0x1b: {  	[sflag:s24] =	ssyncset.done $0x0  }
0x1c: {  	s26 =	simm.s32 $0x1B8E;
	s25 =	sld [smem:$0x3FFE];
	[sflag:s24] =	ssyncadd.s32 $0xFFFFFFFF  }
0x1d: {  	s27 =	simm.s32 $execute0_lowered;
	[smem:$0x3FD2] =	sst s26  }
0x1e: {  	s5 =	sshll.u32 s27, $0x1;
	_ =	strace $0x80000049;
	[dreg:$0x1] =	wrdreg $0xFFFFFFFF  }
0x1f: {  	s28 =	simm.s32 $_size_execute0_lowered;
	s3 =	sadd.s32 s3, s5;
	[dreg:$0x0] =	wrdreg $0x0  }
0x20: {  	s5 =	sshll.u32 s28, $0x1;
	[dreg:$0x2] =	wrdreg s3  }
0x21: {  	[dreg:$0x3] =	wrdreg s5  }
0x22: {  	[dreg:$0x4] =	wrdreg $0xC0  }
0x23: {  	_ =	task [dreg:s7], $0x5FFFF  }
0x24: {  	[dreg:$0x1] =	wrdreg $0xFFFFFFFF  }
0x25: {  	[dreg:$0x0] =	wrdreg $0x60  }
0x26: {  	[dreg:$0x2] =	wrdreg s25  }
0x27: {  	[dreg:$0x3] =	wrdreg s2  }
0x28: {  	[dreg:$0x4] =	wrdreg $0x9  }
0x29: {  	_ =	task.clear_ibuf [dreg:s7], $0x5FFFF;
	_ =	strace $0x90000049  }
0x2a: {  	s29 =	simm.s32 $0x9;
	_ =	strace $0x8000004B  }
0x2b: {  	_ =	swait.ge [sflag:s29], $0x1  }
0x2c: {  	[sflag:s29] =	ssyncadd.s32 $0xFFFFFFFF  }
0x2d: {  	_ =	strace $0x9000004B  }
0x2e: {  	_ =	sfence  }
0x2f: {  	s30 =	sld [smem:$0x0];
	_ =	sdelay $0x2  }
0x30: {  	s31 =	sshll.u32 s1, $0xD;
	s1 =	sshrl.u32 s1, $0x2  }
0x31: {  	s3 =	sand.u32 $0x4000, s31;
	s1 =	sadd.s32 s1, s30  }
0x32: {  	s0 =	sor.u32 s3, s0;
	s1 =	sshll.u32 s1, $0x11  }
0x33: {  	s0 =	sor.u32 s1, s0  }
0x34: {  	s0 =	sadd.s32 $0x8F2B, s0  }
0x35: {  	[sflag:s0] =	ssyncadd.remote.s32 $0x1  }
0x36: {  	_ =	sfence.sel $0xFFFF  }
0x37: {  	[dreg:$0x0] =	wrdreg $0xFFFFFFFF;
	(pc) =	sbr.abs _section_cstart, $3  }
0x38: {  	[dreg:$0x1] =	wrdreg $0xFFFFFFFF  }
0x39: {  	_ =	task.clear_ibuf [dreg:s7], $0x2FFFF;
	_ =	strace $0x9FFFFFFF  }
0x3a: {  	(tm) =	ssettm $0x7FFFFFFF  }
0x3b: {  	_ =	shalt  }
tec
execute0_lowered:
.L_overlay_start_1:
0x0: {  	(tag) =	ssettag $0x1  }
0x1: {  	s0 =	srdreg.scid  }
0x2: {  	s1 =	sshll.u32 s0, $0x4  }
0x3: {  	s4 =	rddreg [dreg:$0x0];
	s0 =	stileid.u32;
	s1 =	sand.u32 $0x10, s1  }
0x4: {  	s2 =	rddreg [dreg:$0x1];
	s7 =	simm.s32 $0x1;
	s1 =	sor.u32 s0, s1  }
0x5: {  	s8 =	simm.s32 $0x2;
	s11 =	simm.s32 $0x0;
	s3 =	sshll.u32 s1, $0x7  }
0x6: {  	s10 =	simm.s32 $0x0;
	s4 =	sadd.s32 $0x800, s4;
	s6 =	ssub.s32 $0x32000, s3  }
.Ltmp0:
0x7: {  	s1 =	rddreg [dreg:$0x2];
	s5 =	sand.u32 $0xF80, s6;
	(pc) =	sbr.rel .LBB1_1-.Ltmp0, $4  }
0x8: {  	_ =	strace $0x8000004A;
	s9 =	smov.u32 s3;
	p0 =	sne.s32 s5, $0x0  }
0x9: {  	s6 =	sshrl.u32 s6, $0xC;
	s5 =	simm.s32 $0x1;
	s7 =	simm.s32 @!p0 $0x0  }
0xa: {  	[sflag:s5] =	ssyncpa.u1 $0x0;
	p0 =	por $0x0, $0x0;
	s6 =	sadd.s32 s7, s6  }
0xb: {  	[sflag:s8] =	ssyncpa.u1 $0x0;
	s8 =	simm.s32 $0x190000;
	s7 =	sadd.s32 $0x1, s6  }
.LBB1_4:
0xc: {  	s14 =	sshll.u32 s11, $0x3  }
0xd: {  	s30 =	sand.u32 $0x7F, s11;
	s15 =	sand.u32 $0xFFFFFC00, s14  }
0xe: {  	s11 =	sor.u32 s30, s15  }
0xf: {  	s15 =	smulhi.u32 $0x51EB851F, s11  }
0x10: {  	s14 =	smulhi.u32 $0x51EB851F, s14  }
0x11: {  	s15 =	sshrl.u32 s15, $0x10  }
0x12: {  	s14 =	sshrl.u32 s14, $0x10;
	s15 =	smul.u32 $0x32000, s15  }
0x13: {  	s14 =	sand.u32 $0x3F, s14  }
0x14: {  	s14 =	smul.u32 $0x6400, s14;
	s11 =	ssub.s32 s11, s15  }
0x15: {  	[tilespmem:s13+$0x810 ss:$0x81] =	vst.msk $0xffff, v2;
	s15 =	sand.u32 $0x7, s11  }
0x16: {  	[tilespmem:s13+$0x1020 ss:$0x81] =	vst.msk $0xffff, v0;
	s14 =	sadd.s32 s2, s14;
	s11 =	sshrl.u32 s11, $0x3;
	s15 =	sshll.u32 s15, $0x12  }
0x17: {  	[tilespmem:s13+$0x0 ss:$0x81] =	vst.msk $0xffff, v1;
	s11 =	sadd.s32 s11, s14;
	s31 =	sor.u32 $0x400, s15  }
0x18: {  	[hbm4b:s11+s31] =	stream.strided.scatter [tilespmem:s12], [sflag:$0x2], $0x2000, s8, s31, $0x20;
	[tilespmem:$0x8080] =	vst v63  }
.LBB1_5:
0x19: {  	s13 =	sadd.s32 $0x1000, s9  }
0x1a: {  	p2 =	sgt.s32 s13, $0x31FFF  }
0x1b: {  	s13 =	smov.u32 @p2 s3;
	p2 =	sne.s32 s10, s7  }
.Ltmp1:
0x1c: {  	p1 =	slt.u32 s10, $0x2;
	(pc) =	sbr.rel @!p2 .LBB1_6-.Ltmp1, $4  }
0x1d: {  	s12 =	simm.s32 @!p1 $0x2  }
0x1e: {  	s14 =	sadd.s32 $0x1, s10;
	_ =	swait.ge @!p1 [sflag:s12], $0x2000  }
0x1f: {  	s11 =	smov.u32 s9;
	p0 =	por !p0, !p0;
	[sflag:s12] =	ssyncset.done @!p1 $0x0  }
0x20: {  	s10 =	smov.u32 s14;
	s9 =	smov.u32 s13;
	[sflag:s12] =	ssyncadd.s32 @!p1 $0xFFFFE000  }
.LBB1_1:
0x21: {  	p1 =	sge.u32 s10, s6  }
0x22: {  	s12 =	sand.u32 @!p1 $0x1FFFFFF, s9  }
0x23: {  	s13 =	smulhi.u32 @!p1 $0x147AE15, s12;
	_ =	sdelay $0x1  }
0x24: {  	s13 =	sshrl.u32 @!p1 s13, $0xA  }
0x25: {  	s13 =	smul.u32 @!p1 $0x32000, s13;
	_ =	sdelay $0x1  }
0x26: {  	s31 =	sadd.s32 $0xFFFFFFFF, s10;
	s14 =	sxor.u32 @!p1 $0xFFFFFFFF, s10;
	s12 =	ssub.s32 @!p1 s12, s13  }
0x27: {  	s15 =	simm.s32 @!p1 $0x80;
	s14 =	sshll.u32 @!p1 s14, $0xD;
	s12 =	sshll.u32 @!p1 s12, $0x4  }
0x28: {  	s13 =	sand.u32 @!p1 $0x2000, s14;
	s14 =	simm.s32 @!p1 $0x40;
	s12 =	sadd.s32 @!p1 s4, s12  }
0x29: {  	[tilespmem:s13], [sflag:$0x1] =	stream.strided.gather @!p1 [hbm4b:s12+s14], $0x2000, s15, s14, $0x38;
	[tilespmem:$0x8080] =	vst v63  }
0x2a: {  	p1 =	sge.u32 s31, s6  }
.Ltmp2:
0x2b: {  	_ = 	snop;
	(pc) =	sbr.rel @p1 .LBB1_5-.Ltmp2, $1  }
0x2c: {  	_ =	sdelay $0x3  }
0x2d: {  	s12 =	simm.s32 $0x1  }
0x2e: {  	_ =	swait.ge [sflag:s5], $0x2000;
	s12 =	simm.s32 @!p0 $0x0  }
0x2f: {  	[sflag:s5] =	ssyncset.done $0x0;
	s13 =	sshll.u32 s12, $0xD  }
0x30: {  	[sflag:s5] =	ssyncadd.s32 $0xFFFFE000;
	s16 =	sor.u32 $0x20, s13  }
0x31: {  	s12 =	smul.u32 $0x8100, s12;
	v3 =	vld [tilespmem:s16+$0x10]  }
0x32: {  	s30 =	sand.u32 $0x1, s10;
	v2 =	vld [tilespmem:s16+$0xFFFFFFF0]  }
0x33: {  	s13 =	smul.u32 $0x8100, s30;
	s12 =	sshrl.u32 s12, $0x2;
	v0 =	vld [tilespmem:s16+$0x0]  }
0x34: {  	v1 =	vld [tilespmem:s16+$0xFFFFFFE0];
	s14 =	sor.u32 $0x4000, s12  }
0x35: {  	s31 =	sshrl.u32 s13, $0x2;
	s13 =	sadd.s32 $0x0, s14  }
0x36: {  	s15 =	simm.s32 $0x4;
	s16 =	sadd.s32 $0x40, s16;
	s12 =	sor.u32 $0x4000, s31;
	[tilespmem:s13+$0x1830 ss:$0x81] =	vst.msk $0xffff, v3  }
.LBB1_3:
0x37: {  	v3 =	vld [tilespmem:s16+$0x10];
	p1 =	sne.s32 s15, $0x1FC;
	[tilespmem:s13+$0x810 ss:$0x81] =	vst.msk $0xffff, v2;
	s17 =	smov.u32 s15;
	s15 =	sadd.s32 $0x4, s15  }
.Ltmp3:
0x38: {  	v2 =	vld [tilespmem:s16+$0xFFFFFFF0];
	[tilespmem:s13+$0x1020 ss:$0x81] =	vst.msk $0xffff, v0;
	(pc) =	sbr.rel @p1 .LBB1_3-.Ltmp3, $4  }
0x39: {  	v0 =	vld [tilespmem:s16+$0x0];
	[tilespmem:s13+$0x0 ss:$0x81] =	vst.msk $0xffff, v1  }
0x3a: {  	s13 =	sshra.s32 s17, $0x2;
	v1 =	vld [tilespmem:s16+$0xFFFFFFE0]  }
0x3b: {  	s13 =	sadd.s32 s13, s14  }
0x3c: {  	s16 =	sadd.s32 $0x40, s16;
	[tilespmem:s13+$0x1830 ss:$0x81] =	vst.msk $0xffff, v3  }
.Ltmp4:
0x3d: {  	_ = 	snop;
	(pc) =	sbr.rel .LBB1_4-.Ltmp4, $1  }
0x3e: {  	_ =	sdelay $0x3  }
.LBB1_6:
0x3f: {  	_ =	sfence.sel $0x180000  }
0x40: {  	s2 =	simm.s32 $0x1;
	[bflag:$0x0] =	sbarrier.arrive $0xFFFF  }
0x41: {  	s31 =	simm.s32 $0x2;
	[sflag:s2] =	ssyncpa.u1 $0x1  }
0x42: {  	[sflag:s31] =	ssyncpa.u1 $0x1  }
0x43: {  	p0 =	sne.s32 s0, $0x0;
	_ =	strace $0x9000004A  }
0x44: {  	s0 =	sadd.s32 @!p0 $0x100000, s1;
	[bflag:$0x2] =	sbarrier.arrive $0xFFFF  }
0x45: {  	[sflag:s0] =	ssyncadd.tile.s32 @!p0 $0x1;
	_ =	shalt  }
.Lfunc_end1:
_tile_overlayer_lowered:
.L_overlay_start_2:
0x46: {  	(tag) =	ssettag $0x2  }
0x47: {  	s0 =	rddreg [dreg:$0x0];
	s2 =	stileid.u32  }
0x48: {  	s1 =	rddreg [dreg:$0x1];
	p0 =	sne.s32 s2, $0x0  }
0x49: {  	s3 =	rddreg [dreg:$0x2];
	[bflag:$0x3] =	sbarrier.arrive $0xFFFF;
	s2 =	simm.s32 @!p0 $0x1C01  }
0x4a: {  	[timem:s3], [sflag:s2] =	dma.local @!p0 [hbm:s0], s1  }
0x4b: {  	s0 =	simm.s32 @!p0 $0x1  }
0x4c: {  	_ =	swait.ge @!p0 [sflag:s0], s1  }
0x4d: {  	s1 =	ssub.s32 @!p0 $0x0, s1;
	[sflag:s0] =	ssyncset.done @!p0 $0x0  }
0x4e: {  	[sflag:s0] =	ssyncadd.s32 @!p0 s1  }
0x4f: {  	[bflag:$0x3] =	sbarrier.arrive $0xFFFF  }
0x50: {  	_ =	shalt  }

</sc_bundles>
